<compile_context>
chip_gen: v7x
topology: tpu7x:2x2x1
jax: 0.10.2.dev20260603
libtpu: 0.0.44.dev20260713+nightly
codegen_flags: <defaults>
</compile_context>

<pallas_src>
import functools

import jax
import jax.numpy as jnp
from jax import lax
from jax.experimental import pallas as pl
from jax.experimental.pallas import tpu as pltpu
from jax.experimental.pallas import tpu_sc as plsc

H = 2048
E = 64
K = 8
L = 16
_NEG = -1e30


def _gate_body(x_ref, wn_ref, wt_ref, noise_ref, mw_ref, acc_sp, acc_x,
               *, n_tokens):
    i = pl.program_id(0)

    @pl.when(i == 0)
    def _init():
        acc_sp[...] = jnp.zeros_like(acc_sp)
        acc_x[...] = jnp.zeros_like(acc_x)

    xb = x_ref[...]
    g = lax.dot_general(xb, wn_ref[...], (((1,), (1,)), ((), ())),
                        preferred_element_type=jnp.float32)
    acc_sp[...] += jnp.sum(jax.nn.softplus(g), axis=0, keepdims=True)
    acc_x[...] += jnp.sum(xb, axis=0, keepdims=True)

    @pl.when(i == pl.num_programs(0) - 1)
    def _finish():
        ninv = jnp.float32(1.0 / n_tokens)
        mean_t = lax.dot_general(acc_x[...] * ninv, wt_ref[...],
                                 (((1,), (1,)), ((), ())),
                                 preferred_element_type=jnp.float32)
        mw_ref[...] = mean_t + acc_sp[...] * ninv * noise_ref[...]


def _topk_sc_body(mw_hbm, gates_hbm, idx_hbm, mw_v, g_v, i_v):
    cid = lax.axis_index("c")
    sid = lax.axis_index("s")

    @pl.when((cid == 0) & (sid == 0))
    def _():
        pltpu.sync_copy(mw_hbm, mw_v)
        lane = lax.iota(jnp.int32, L)
        vals = [mw_v[pl.ds(j * L, L)] for j in range(E // L)]
        iotas = [lane + j * L for j in range(E // L)]
        gsel = jnp.zeros((L,), jnp.float32)
        isel = jnp.zeros((L,), jnp.int32)
        g0 = jnp.float32(0.0)
        for k in range(K):
            mx = vals[0]
            for j in range(1, E // L):
                mx = jnp.maximum(mx, vals[j])
            m = jnp.max(mx)
            if k == 0:
                g0 = m
            cand = jnp.where(vals[0] == m, iotas[0], E)
            for j in range(1, E // L):
                cand = jnp.minimum(cand, jnp.where(vals[j] == m, iotas[j], E))
            sel = jnp.min(cand)
            gsel = jnp.where(lane == k, m, gsel)
            isel = jnp.where(lane == k, sel, isel)
            for j in range(E // L):
                vals[j] = jnp.where(iotas[j] == sel, _NEG, vals[j])
        e = jnp.where(lane < K, jnp.exp(gsel - g0), 0.0)
        s = jnp.sum(e)
        g_v[...] = e / s
        i_v[...] = isel
        pltpu.sync_copy(g_v, gates_hbm)
        pltpu.sync_copy(i_v, idx_hbm)


_topk_sc = pl.kernel(
    _topk_sc_body,
    out_type=(
        jax.ShapeDtypeStruct((L,), jnp.float32),
        jax.ShapeDtypeStruct((L,), jnp.int32),
    ),
    mesh=plsc.VectorSubcoreMesh(core_axis_name="c", subcore_axis_name="s",
                                num_cores=1),
    scratch_types=[
        pltpu.VMEM((E,), jnp.float32),
        pltpu.VMEM((L,), jnp.float32),
        pltpu.VMEM((L,), jnp.int32),
    ],
    compiler_params=pltpu.CompilerParams(needs_layout_passes=False),
)


def kernel(x, W_transform, W_noise):
    n_tokens = x.shape[0] * x.shape[1]
    x2d = x.reshape(n_tokens, H)
    noise = jax.random.normal(jax.random.key(42), (E,), dtype=x.dtype)
    noise2d = noise.reshape(1, E)

    bt = 1024
    grid = (n_tokens // bt,)
    mw = pl.pallas_call(
        functools.partial(_gate_body, n_tokens=n_tokens),
        grid=grid,
        in_specs=[
            pl.BlockSpec((bt, H), lambda i: (i, 0)),
            pl.BlockSpec((E, H), lambda i: (0, 0)),
            pl.BlockSpec((E, H), lambda i: (0, 0)),
            pl.BlockSpec((1, E), lambda i: (0, 0)),
        ],
        out_specs=pl.BlockSpec((1, E), lambda i: (0, 0)),
        out_shape=jax.ShapeDtypeStruct((1, E), jnp.float32),
        scratch_shapes=[
            pltpu.VMEM((1, E), jnp.float32),
            pltpu.VMEM((1, H), jnp.float32),
        ],
    )(x2d, W_noise, W_transform, noise2d)

    gates16, idx16 = _topk_sc(mw.reshape(E))
    return gates16[:K], idx16[:K]

# --- scband reference (transcript-rebuilt; emitter-appended) ---
"""Pipeline reference for scband-mo-egate-91122026152203 (READ-ONLY COPY).

The authoritative reference and input builder live on the scoring server;
editing this copy changes nothing except your own understanding.
"""

import jax, jax.numpy as jnp
import numpy as np

H = 2048
E = 64
K = 8
B = 4
S = 2048


def setup_inputs(seed: int = 0) -> dict:
    key = jax.random.key(seed)
    k1, k2, k3 = jax.random.split(key, 3)
    x = jax.random.normal(k1, (B, S, H), dtype=jnp.float32)
    # xavier_uniform with gain 2**-0.5 for a [E, H] linear weight
    a = (2.0 ** -0.5) * np.sqrt(6.0 / (H + E))
    W_transform = jax.random.uniform(k2, (E, H), minval=-a, maxval=a, dtype=jnp.float32)
    W_noise = jax.random.uniform(k3, (E, H), minval=-a, maxval=a, dtype=jnp.float32)
    return {"x": x, "W_transform": W_transform, "W_noise": W_noise}


def reference(x, W_transform, W_noise):
    # gate_transform(x) and gate_noise(x): Affine without bias -> x @ W.T
    gate_t = jnp.einsum('bsh,eh->bse', x, W_transform)
    gate_n = jnp.einsum('bsh,eh->bse', x, W_noise)
    # x.new_zeros(num_experts).normal_() -> standard normal noise vector (fixed key for determinism)
    noise = jax.random.normal(jax.random.key(42), (E,), dtype=x.dtype)
    weight = gate_t + jax.nn.softplus(gate_n) * noise
    # global top-k over the mean gate weight
    mean_w = jnp.mean(weight, axis=(0, 1))
    gates, indexes = jax.lax.top_k(mean_w, K)
    selected_gates = jax.nn.softmax(gates, axis=-1)
    # examplewise top-k mask + renormalized softmax (computed for fidelity / balance loss)
    _, ex_idx = jax.lax.top_k(weight, K)  # [B, S, K]
    select_bool = jax.nn.one_hot(ex_idx, E, dtype=weight.dtype).sum(axis=2)  # [B, S, E]
    masked = jnp.where(select_bool == 0, -jnp.inf, weight)
    weight_sm = jax.nn.softmax(masked, axis=-1)
    # experts balance loss (side effect in torch module; computed but not returned)
    sum_weight = weight_sm.sum(axis=(0, 1))
    cov = jnp.std(sum_weight, ddof=1) / jnp.mean(sum_weight)
    _experts_balance_loss = cov ** 2
    return (selected_gates, indexes)

if __name__ == "__main__":
    import jax
    _d = setup_inputs()
    print(jax.jit(kernel)(*tuple(_d.values())))

</pallas_src>

<mosaic_0001>
#map = affine_map<(d0, d1) -> (0)>
module attributes {stable_mosaic.version = 14 : i64} {
  func.func @_topk_sc_body(%arg0: i32, %arg1: i32, %arg2: memref<64xf32, #tpu.memory_space<hbm>>, %arg3: memref<16xf32, #tpu.memory_space<hbm>>, %arg4: memref<16xi32, #tpu.memory_space<hbm>>, %arg5: memref<64xf32, #tpu.memory_space<vmem>>, %arg6: memref<16xf32, #tpu.memory_space<vmem>>, %arg7: memref<16xi32, #tpu.memory_space<vmem>>) attributes {dimension_semantics = [#tpu.dimension_semantics<core_parallel>, #tpu.dimension_semantics<subcore_parallel>], iteration_bounds = array<i64: 1, 16>, scalar_prefetch = 0 : i64, scratch_operands = 3 : i64, tpu.core_type = #tpu.core_type<sc_vector_subcore>, window_params = [{transform_indices = #map}, {transform_indices = #map}, {transform_indices = #map}]} {
    %eq3A = arith.constant 0 : i32
    %eq3A_0 = arith.cmpi eq, %arg0, %eq3A : i32
    %eq3A_1 = arith.constant 0 : i32
    %eq3A_2 = arith.cmpi eq, %arg1, %eq3A_1 : i32
    %and3A = arith.andi %eq3A_0, %eq3A_2 : i1
    %convert_element_type3A = arith.extui %and3A : i1 to i32
    %cond3A = arith.constant 0 : i32
    %cond3A_3 = arith.cmpi ne, %convert_element_type3A, %cond3A : i32
    scf.if %cond3A_3 {
      "tpu.region"() ({
        %run_scoped3A = tpu.sem_alloc : memref<!tpu.dma_semaphore, #tpu.memory_space<semaphore_mem>>
        tpu.enqueue_dma source(%arg2 : memref<64xf32, #tpu.memory_space<hbm>>) target(%arg5 : memref<64xf32, #tpu.memory_space<vmem>>) target_semaphore(%run_scoped3A : memref<!tpu.dma_semaphore, #tpu.memory_space<semaphore_mem>>)
        tpu.wait_dma2 semaphore(%run_scoped3A : memref<!tpu.dma_semaphore, #tpu.memory_space<semaphore_mem>>) src(%arg2 : memref<64xf32, #tpu.memory_space<hbm>>) dst(%arg5 : memref<64xf32, #tpu.memory_space<vmem>>)
        tpu.yield
      }) : () -> ()
      %iota3A = tpu.iota {dimensions = array<i32: 0>} : vector<16xi32>
      %get3A = arith.constant 0 : index
      %get3A_4 = tpu.vector_load %arg5[%get3A] {strides = array<i32>} : memref<64xf32, #tpu.memory_space<vmem>>, vector<16xf32>,
      %get3A_5 = arith.constant 16 : index
      %get3A_6 = tpu.vector_load %arg5[%get3A_5] {strides = array<i32>} : memref<64xf32, #tpu.memory_space<vmem>>, vector<16xf32>,
      %get3A_7 = arith.constant 32 : index
      %get3A_8 = tpu.vector_load %arg5[%get3A_7] {strides = array<i32>} : memref<64xf32, #tpu.memory_space<vmem>>, vector<16xf32>,
      %get3A_9 = arith.constant 48 : index
      %get3A_10 = tpu.vector_load %arg5[%get3A_9] {strides = array<i32>} : memref<64xf32, #tpu.memory_space<vmem>>, vector<16xf32>,
      %add3A = arith.constant 0 : i32
      %add3A_11 = vector.broadcast %add3A : i32 to vector<16xi32>
      %add3A_12 = arith.addi %iota3A, %add3A_11 : vector<16xi32>
      %add3A_13 = arith.constant 16 : i32
      %add3A_14 = vector.broadcast %add3A_13 : i32 to vector<16xi32>
      %add3A_15 = arith.addi %iota3A, %add3A_14 : vector<16xi32>
      %add3A_16 = arith.constant 32 : i32
      %add3A_17 = vector.broadcast %add3A_16 : i32 to vector<16xi32>
      %add3A_18 = arith.addi %iota3A, %add3A_17 : vector<16xi32>
      %add3A_19 = arith.constant 48 : i32
      %add3A_20 = vector.broadcast %add3A_19 : i32 to vector<16xi32>
      %add3A_21 = arith.addi %iota3A, %add3A_20 : vector<16xi32>
      %broadcast_in_dim3A = arith.constant 0.000000e+00 : f32
      %broadcast_in_dim3A_22 = vector.broadcast %broadcast_in_dim3A : f32 to vector<16xf32>
      %broadcast_in_dim3A_23 = arith.constant 0 : i32
      %broadcast_in_dim3A_24 = vector.broadcast %broadcast_in_dim3A_23 : i32 to vector<16xi32>
      %max3A = arith.maximumf %get3A_4, %get3A_6 : vector<16xf32>
      %max3A_25 = arith.maximumf %max3A, %get3A_8 : vector<16xf32>
      %max3A_26 = arith.maximumf %max3A_25, %get3A_10 : vector<16xf32>
      %reduce_max3A = arith.constant true
      %reduce_max3A_27 = vector.broadcast %reduce_max3A : i1 to vector<16xi1>
      %reduce_max3A_28 = tpu.scan <max>, %max3A_26 masked %reduce_max3A_27 : vector<16xf32>, vector<16xi1> -> vector<16xf32>
      %reduce_max3A_29 = vector.extract %reduce_max3A_28[15] : f32 from vector<16xf32>
      %eq3A_30 = vector.broadcast %reduce_max3A_29 : f32 to vector<16xf32>
      %eq3A_31 = arith.cmpf oeq, %get3A_4, %eq3A_30 : vector<16xf32>
      %jit3A = arith.constant 64 : i32
      %broadcast_in_dim3A_32 = vector.broadcast %jit3A : i32 to vector<16xi32>
      %select_n3A = arith.select %eq3A_31, %add3A_12, %broadcast_in_dim3A_32 : vector<16xi1>, vector<16xi32>
      %eq3A_33 = vector.broadcast %reduce_max3A_29 : f32 to vector<16xf32>
      %eq3A_34 = arith.cmpf oeq, %get3A_6, %eq3A_33 : vector<16xf32>
      %jit3A_35 = arith.constant 64 : i32
      %broadcast_in_dim3A_36 = vector.broadcast %jit3A_35 : i32 to vector<16xi32>
      %select_n3A_37 = arith.select %eq3A_34, %add3A_15, %broadcast_in_dim3A_36 : vector<16xi1>, vector<16xi32>
      %min3A = arith.minsi %select_n3A, %select_n3A_37 : vector<16xi32>
      %eq3A_38 = vector.broadcast %reduce_max3A_29 : f32 to vector<16xf32>
      %eq3A_39 = arith.cmpf oeq, %get3A_8, %eq3A_38 : vector<16xf32>
      %jit3A_40 = arith.constant 64 : i32
      %broadcast_in_dim3A_41 = vector.broadcast %jit3A_40 : i32 to vector<16xi32>
      %select_n3A_42 = arith.select %eq3A_39, %add3A_18, %broadcast_in_dim3A_41 : vector<16xi1>, vector<16xi32>
      %min3A_43 = arith.minsi %min3A, %select_n3A_42 : vector<16xi32>
      %eq3A_44 = vector.broadcast %reduce_max3A_29 : f32 to vector<16xf32>
      %eq3A_45 = arith.cmpf oeq, %get3A_10, %eq3A_44 : vector<16xf32>
      %jit3A_46 = arith.constant 64 : i32
      %broadcast_in_dim3A_47 = vector.broadcast %jit3A_46 : i32 to vector<16xi32>
      %select_n3A_48 = arith.select %eq3A_45, %add3A_21, %broadcast_in_dim3A_47 : vector<16xi1>, vector<16xi32>
      %min3A_49 = arith.minsi %min3A_43, %select_n3A_48 : vector<16xi32>
      %reduce_min3A = arith.constant true
      %reduce_min3A_50 = vector.broadcast %reduce_min3A : i1 to vector<16xi1>
      %reduce_min3A_51 = arith.constant -2147483648 : i32
      %reduce_min3A_52 = vector.broadcast %reduce_min3A_51 : i32 to vector<16xi32>
      %reduce_min3A_53 = arith.xori %min3A_49, %reduce_min3A_52 : vector<16xi32>
      %reduce_min3A_54 = tpu.scan <min>, %reduce_min3A_53 masked %reduce_min3A_50 : vector<16xi32>, vector<16xi1> -> vector<16xi32>
      %reduce_min3A_55 = arith.xori %reduce_min3A_54, %reduce_min3A_52 : vector<16xi32>
      %reduce_min3A_56 = vector.extract %reduce_min3A_55[15] : i32 from vector<16xi32>
      %eq3A_57 = arith.constant 0 : i32
      %eq3A_58 = vector.broadcast %eq3A_57 : i32 to vector<16xi32>
      %eq3A_59 = arith.cmpi eq, %iota3A, %eq3A_58 : vector<16xi32>
      %broadcast_in_dim3A_60 = vector.broadcast %reduce_max3A_29 : f32 to vector<16xf32>
      %select_n3A_61 = arith.select %eq3A_59, %broadcast_in_dim3A_60, %broadcast_in_dim3A_22 : vector<16xi1>, vector<16xf32>
      %eq3A_62 = arith.constant 0 : i32
      %eq3A_63 = vector.broadcast %eq3A_62 : i32 to vector<16xi32>
      %eq3A_64 = arith.cmpi eq, %iota3A, %eq3A_63 : vector<16xi32>
      %broadcast_in_dim3A_65 = vector.broadcast %reduce_min3A_56 : i32 to vector<16xi32>
      %select_n3A_66 = arith.select %eq3A_64, %broadcast_in_dim3A_65, %broadcast_in_dim3A_24 : vector<16xi1>, vector<16xi32>
      %eq3A_67 = vector.broadcast %reduce_min3A_56 : i32 to vector<16xi32>
      %eq3A_68 = arith.cmpi eq, %add3A_12, %eq3A_67 : vector<16xi32>
      %jit3A_69 = arith.constant -1.000000e+30 : f32
      %broadcast_in_dim3A_70 = vector.broadcast %jit3A_69 : f32 to vector<16xf32>
      %select_n3A_71 = arith.select %eq3A_68, %broadcast_in_dim3A_70, %get3A_4 : vector<16xi1>, vector<16xf32>
      %eq3A_72 = vector.broadcast %reduce_min3A_56 : i32 to vector<16xi32>
      %eq3A_73 = arith.cmpi eq, %add3A_15, %eq3A_72 : vector<16xi32>
      %jit3A_74 = arith.constant -1.000000e+30 : f32
      %broadcast_in_dim3A_75 = vector.broadcast %jit3A_74 : f32 to vector<16xf32>
      %select_n3A_76 = arith.select %eq3A_73, %broadcast_in_dim3A_75, %get3A_6 : vector<16xi1>, vector<16xf32>
      %eq3A_77 = vector.broadcast %reduce_min3A_56 : i32 to vector<16xi32>
      %eq3A_78 = arith.cmpi eq, %add3A_18, %eq3A_77 : vector<16xi32>
      %jit3A_79 = arith.constant -1.000000e+30 : f32
      %broadcast_in_dim3A_80 = vector.broadcast %jit3A_79 : f32 to vector<16xf32>
      %select_n3A_81 = arith.select %eq3A_78, %broadcast_in_dim3A_80, %get3A_8 : vector<16xi1>, vector<16xf32>
      %eq3A_82 = vector.broadcast %reduce_min3A_56 : i32 to vector<16xi32>
      %eq3A_83 = arith.cmpi eq, %add3A_21, %eq3A_82 : vector<16xi32>
      %jit3A_84 = arith.constant -1.000000e+30 : f32
      %broadcast_in_dim3A_85 = vector.broadcast %jit3A_84 : f32 to vector<16xf32>
      %select_n3A_86 = arith.select %eq3A_83, %broadcast_in_dim3A_85, %get3A_10 : vector<16xi1>, vector<16xf32>
      %max3A_87 = arith.maximumf %select_n3A_71, %select_n3A_76 : vector<16xf32>
      %max3A_88 = arith.maximumf %max3A_87, %select_n3A_81 : vector<16xf32>
      %max3A_89 = arith.maximumf %max3A_88, %select_n3A_86 : vector<16xf32>
      %reduce_max3A_90 = arith.constant true
      %reduce_max3A_91 = vector.broadcast %reduce_max3A_90 : i1 to vector<16xi1>
      %reduce_max3A_92 = tpu.scan <max>, %max3A_89 masked %reduce_max3A_91 : vector<16xf32>, vector<16xi1> -> vector<16xf32>
      %reduce_max3A_93 = vector.extract %reduce_max3A_92[15] : f32 from vector<16xf32>
      %eq3A_94 = vector.broadcast %reduce_max3A_93 : f32 to vector<16xf32>
      %eq3A_95 = arith.cmpf oeq, %select_n3A_71, %eq3A_94 : vector<16xf32>
      %jit3A_96 = arith.constant 64 : i32
      %broadcast_in_dim3A_97 = vector.broadcast %jit3A_96 : i32 to vector<16xi32>
      %select_n3A_98 = arith.select %eq3A_95, %add3A_12, %broadcast_in_dim3A_97 : vector<16xi1>, vector<16xi32>
      %eq3A_99 = vector.broadcast %reduce_max3A_93 : f32 to vector<16xf32>
      %eq3A_100 = arith.cmpf oeq, %select_n3A_76, %eq3A_99 : vector<16xf32>
      %jit3A_101 = arith.constant 64 : i32
      %broadcast_in_dim3A_102 = vector.broadcast %jit3A_101 : i32 to vector<16xi32>
      %select_n3A_103 = arith.select %eq3A_100, %add3A_15, %broadcast_in_dim3A_102 : vector<16xi1>, vector<16xi32>
      %min3A_104 = arith.minsi %select_n3A_98, %select_n3A_103 : vector<16xi32>
      %eq3A_105 = vector.broadcast %reduce_max3A_93 : f32 to vector<16xf32>
      %eq3A_106 = arith.cmpf oeq, %select_n3A_81, %eq3A_105 : vector<16xf32>
      %jit3A_107 = arith.constant 64 : i32
      %broadcast_in_dim3A_108 = vector.broadcast %jit3A_107 : i32 to vector<16xi32>
      %select_n3A_109 = arith.select %eq3A_106, %add3A_18, %broadcast_in_dim3A_108 : vector<16xi1>, vector<16xi32>
      %min3A_110 = arith.minsi %min3A_104, %select_n3A_109 : vector<16xi32>
      %eq3A_111 = vector.broadcast %reduce_max3A_93 : f32 to vector<16xf32>
      %eq3A_112 = arith.cmpf oeq, %select_n3A_86, %eq3A_111 : vector<16xf32>
      %jit3A_113 = arith.constant 64 : i32
      %broadcast_in_dim3A_114 = vector.broadcast %jit3A_113 : i32 to vector<16xi32>
      %select_n3A_115 = arith.select %eq3A_112, %add3A_21, %broadcast_in_dim3A_114 : vector<16xi1>, vector<16xi32>
      %min3A_116 = arith.minsi %min3A_110, %select_n3A_115 : vector<16xi32>
      %reduce_min3A_117 = arith.constant true
      %reduce_min3A_118 = vector.broadcast %reduce_min3A_117 : i1 to vector<16xi1>
      %reduce_min3A_119 = arith.constant -2147483648 : i32
      %reduce_min3A_120 = vector.broadcast %reduce_min3A_119 : i32 to vector<16xi32>
      %reduce_min3A_121 = arith.xori %min3A_116, %reduce_min3A_120 : vector<16xi32>
      %reduce_min3A_122 = tpu.scan <min>, %reduce_min3A_121 masked %reduce_min3A_118 : vector<16xi32>, vector<16xi1> -> vector<16xi32>
      %reduce_min3A_123 = arith.xori %reduce_min3A_122, %reduce_min3A_120 : vector<16xi32>
      %reduce_min3A_124 = vector.extract %reduce_min3A_123[15] : i32 from vector<16xi32>
      %eq3A_125 = arith.constant 1 : i32
      %eq3A_126 = vector.broadcast %eq3A_125 : i32 to vector<16xi32>
      %eq3A_127 = arith.cmpi eq, %iota3A, %eq3A_126 : vector<16xi32>
      %broadcast_in_dim3A_128 = vector.broadcast %reduce_max3A_93 : f32 to vector<16xf32>
      %select_n3A_129 = arith.select %eq3A_127, %broadcast_in_dim3A_128, %select_n3A_61 : vector<16xi1>, vector<16xf32>
      %eq3A_130 = arith.constant 1 : i32
      %eq3A_131 = vector.broadcast %eq3A_130 : i32 to vector<16xi32>
      %eq3A_132 = arith.cmpi eq, %iota3A, %eq3A_131 : vector<16xi32>
      %broadcast_in_dim3A_133 = vector.broadcast %reduce_min3A_124 : i32 to vector<16xi32>
      %select_n3A_134 = arith.select %eq3A_132, %broadcast_in_dim3A_133, %select_n3A_66 : vector<16xi1>, vector<16xi32>
      %eq3A_135 = vector.broadcast %reduce_min3A_124 : i32 to vector<16xi32>
      %eq3A_136 = arith.cmpi eq, %add3A_12, %eq3A_135 : vector<16xi32>
      %jit3A_137 = arith.constant -1.000000e+30 : f32
      %broadcast_in_dim3A_138 = vector.broadcast %jit3A_137 : f32 to vector<16xf32>
      %select_n3A_139 = arith.select %eq3A_136, %broadcast_in_dim3A_138, %select_n3A_71 : vector<16xi1>, vector<16xf32>
      %eq3A_140 = vector.broadcast %reduce_min3A_124 : i32 to vector<16xi32>
      %eq3A_141 = arith.cmpi eq, %add3A_15, %eq3A_140 : vector<16xi32>
      %jit3A_142 = arith.constant -1.000000e+30 : f32
      %broadcast_in_dim3A_143 = vector.broadcast %jit3A_142 : f32 to vector<16xf32>
      %select_n3A_144 = arith.select %eq3A_141, %broadcast_in_dim3A_143, %select_n3A_76 : vector<16xi1>, vector<16xf32>
      %eq3A_145 = vector.broadcast %reduce_min3A_124 : i32 to vector<16xi32>
      %eq3A_146 = arith.cmpi eq, %add3A_18, %eq3A_145 : vector<16xi32>
      %jit3A_147 = arith.constant -1.000000e+30 : f32
      %broadcast_in_dim3A_148 = vector.broadcast %jit3A_147 : f32 to vector<16xf32>
      %select_n3A_149 = arith.select %eq3A_146, %broadcast_in_dim3A_148, %select_n3A_81 : vector<16xi1>, vector<16xf32>
      %eq3A_150 = vector.broadcast %reduce_min3A_124 : i32 to vector<16xi32>
      %eq3A_151 = arith.cmpi eq, %add3A_21, %eq3A_150 : vector<16xi32>
      %jit3A_152 = arith.constant -1.000000e+30 : f32
      %broadcast_in_dim3A_153 = vector.broadcast %jit3A_152 : f32 to vector<16xf32>
      %select_n3A_154 = arith.select %eq3A_151, %broadcast_in_dim3A_153, %select_n3A_86 : vector<16xi1>, vector<16xf32>
      %max3A_155 = arith.maximumf %select_n3A_139, %select_n3A_144 : vector<16xf32>
      %max3A_156 = arith.maximumf %max3A_155, %select_n3A_149 : vector<16xf32>
      %max3A_157 = arith.maximumf %max3A_156, %select_n3A_154 : vector<16xf32>
      %reduce_max3A_158 = arith.constant true
      %reduce_max3A_159 = vector.broadcast %reduce_max3A_158 : i1 to vector<16xi1>
      %reduce_max3A_160 = tpu.scan <max>, %max3A_157 masked %reduce_max3A_159 : vector<16xf32>, vector<16xi1> -> vector<16xf32>
      %reduce_max3A_161 = vector.extract %reduce_max3A_160[15] : f32 from vector<16xf32>
      %eq3A_162 = vector.broadcast %reduce_max3A_161 : f32 to vector<16xf32>
      %eq3A_163 = arith.cmpf oeq, %select_n3A_139, %eq3A_162 : vector<16xf32>
      %jit3A_164 = arith.constant 64 : i32
      %broadcast_in_dim3A_165 = vector.broadcast %jit3A_164 : i32 to vector<16xi32>
      %select_n3A_166 = arith.select %eq3A_163, %add3A_12, %broadcast_in_dim3A_165 : vector<16xi1>, vector<16xi32>
      %eq3A_167 = vector.broadcast %reduce_max3A_161 : f32 to vector<16xf32>
      %eq3A_168 = arith.cmpf oeq, %select_n3A_144, %eq3A_167 : vector<16xf32>
      %jit3A_169 = arith.constant 64 : i32
      %broadcast_in_dim3A_170 = vector.broadcast %jit3A_169 : i32 to vector<16xi32>
      %select_n3A_171 = arith.select %eq3A_168, %add3A_15, %broadcast_in_dim3A_170 : vector<16xi1>, vector<16xi32>
      %min3A_172 = arith.minsi %select_n3A_166, %select_n3A_171 : vector<16xi32>
      %eq3A_173 = vector.broadcast %reduce_max3A_161 : f32 to vector<16xf32>
      %eq3A_174 = arith.cmpf oeq, %select_n3A_149, %eq3A_173 : vector<16xf32>
      %jit3A_175 = arith.constant 64 : i32
      %broadcast_in_dim3A_176 = vector.broadcast %jit3A_175 : i32 to vector<16xi32>
      %select_n3A_177 = arith.select %eq3A_174, %add3A_18, %broadcast_in_dim3A_176 : vector<16xi1>, vector<16xi32>
      %min3A_178 = arith.minsi %min3A_172, %select_n3A_177 : vector<16xi32>
      %eq3A_179 = vector.broadcast %reduce_max3A_161 : f32 to vector<16xf32>
      %eq3A_180 = arith.cmpf oeq, %select_n3A_154, %eq3A_179 : vector<16xf32>
      %jit3A_181 = arith.constant 64 : i32
      %broadcast_in_dim3A_182 = vector.broadcast %jit3A_181 : i32 to vector<16xi32>
      %select_n3A_183 = arith.select %eq3A_180, %add3A_21, %broadcast_in_dim3A_182 : vector<16xi1>, vector<16xi32>
      %min3A_184 = arith.minsi %min3A_178, %select_n3A_183 : vector<16xi32>
      %reduce_min3A_185 = arith.constant true
      %reduce_min3A_186 = vector.broadcast %reduce_min3A_185 : i1 to vector<16xi1>
      %reduce_min3A_187 = arith.constant -2147483648 : i32
      %reduce_min3A_188 = vector.broadcast %reduce_min3A_187 : i32 to vector<16xi32>
      %reduce_min3A_189 = arith.xori %min3A_184, %reduce_min3A_188 : vector<16xi32>
      %reduce_min3A_190 = tpu.scan <min>, %reduce_min3A_189 masked %reduce_min3A_186 : vector<16xi32>, vector<16xi1> -> vector<16xi32>
      %reduce_min3A_191 = arith.xori %reduce_min3A_190, %reduce_min3A_188 : vector<16xi32>
      %reduce_min3A_192 = vector.extract %reduce_min3A_191[15] : i32 from vector<16xi32>
      %eq3A_193 = arith.constant 2 : i32
      %eq3A_194 = vector.broadcast %eq3A_193 : i32 to vector<16xi32>
      %eq3A_195 = arith.cmpi eq, %iota3A, %eq3A_194 : vector<16xi32>
      %broadcast_in_dim3A_196 = vector.broadcast %reduce_max3A_161 : f32 to vector<16xf32>
      %select_n3A_197 = arith.select %eq3A_195, %broadcast_in_dim3A_196, %select_n3A_129 : vector<16xi1>, vector<16xf32>
      %eq3A_198 = arith.constant 2 : i32
      %eq3A_199 = vector.broadcast %eq3A_198 : i32 to vector<16xi32>
      %eq3A_200 = arith.cmpi eq, %iota3A, %eq3A_199 : vector<16xi32>
      %broadcast_in_dim3A_201 = vector.broadcast %reduce_min3A_192 : i32 to vector<16xi32>
      %select_n3A_202 = arith.select %eq3A_200, %broadcast_in_dim3A_201, %select_n3A_134 : vector<16xi1>, vector<16xi32>
      %eq3A_203 = vector.broadcast %reduce_min3A_192 : i32 to vector<16xi32>
      %eq3A_204 = arith.cmpi eq, %add3A_12, %eq3A_203 : vector<16xi32>
      %jit3A_205 = arith.constant -1.000000e+30 : f32
      %broadcast_in_dim3A_206 = vector.broadcast %jit3A_205 : f32 to vector<16xf32>
      %select_n3A_207 = arith.select %eq3A_204, %broadcast_in_dim3A_206, %select_n3A_139 : vector<16xi1>, vector<16xf32>
      %eq3A_208 = vector.broadcast %reduce_min3A_192 : i32 to vector<16xi32>
      %eq3A_209 = arith.cmpi eq, %add3A_15, %eq3A_208 : vector<16xi32>
      %jit3A_210 = arith.constant -1.000000e+30 : f32
      %broadcast_in_dim3A_211 = vector.broadcast %jit3A_210 : f32 to vector<16xf32>
      %select_n3A_212 = arith.select %eq3A_209, %broadcast_in_dim3A_211, %select_n3A_144 : vector<16xi1>, vector<16xf32>
      %eq3A_213 = vector.broadcast %reduce_min3A_192 : i32 to vector<16xi32>
      %eq3A_214 = arith.cmpi eq, %add3A_18, %eq3A_213 : vector<16xi32>
      %jit3A_215 = arith.constant -1.000000e+30 : f32
      %broadcast_in_dim3A_216 = vector.broadcast %jit3A_215 : f32 to vector<16xf32>
      %select_n3A_217 = arith.select %eq3A_214, %broadcast_in_dim3A_216, %select_n3A_149 : vector<16xi1>, vector<16xf32>
      %eq3A_218 = vector.broadcast %reduce_min3A_192 : i32 to vector<16xi32>
      %eq3A_219 = arith.cmpi eq, %add3A_21, %eq3A_218 : vector<16xi32>
      %jit3A_220 = arith.constant -1.000000e+30 : f32
      %broadcast_in_dim3A_221 = vector.broadcast %jit3A_220 : f32 to vector<16xf32>
      %select_n3A_222 = arith.select %eq3A_219, %broadcast_in_dim3A_221, %select_n3A_154 : vector<16xi1>, vector<16xf32>
      %max3A_223 = arith.maximumf %select_n3A_207, %select_n3A_212 : vector<16xf32>
      %max3A_224 = arith.maximumf %max3A_223, %select_n3A_217 : vector<16xf32>
      %max3A_225 = arith.maximumf %max3A_224, %select_n3A_222 : vector<16xf32>
      %reduce_max3A_226 = arith.constant true
      %reduce_max3A_227 = vector.broadcast %reduce_max3A_226 : i1 to vector<16xi1>
      %reduce_max3A_228 = tpu.scan <max>, %max3A_225 masked %reduce_max3A_227 : vector<16xf32>, vector<16xi1> -> vector<16xf32>
      %reduce_max3A_229 = vector.extract %reduce_max3A_228[15] : f32 from vector<16xf32>
      %eq3A_230 = vector.broadcast %reduce_max3A_229 : f32 to vector<16xf32>
      %eq3A_231 = arith.cmpf oeq, %select_n3A_207, %eq3A_230 : vector<16xf32>
      %jit3A_232 = arith.constant 64 : i32
      %broadcast_in_dim3A_233 = vector.broadcast %jit3A_232 : i32 to vector<16xi32>
      %select_n3A_234 = arith.select %eq3A_231, %add3A_12, %broadcast_in_dim3A_233 : vector<16xi1>, vector<16xi32>
      %eq3A_235 = vector.broadcast %reduce_max3A_229 : f32 to vector<16xf32>
      %eq3A_236 = arith.cmpf oeq, %select_n3A_212, %eq3A_235 : vector<16xf32>
      %jit3A_237 = arith.constant 64 : i32
      %broadcast_in_dim3A_238 = vector.broadcast %jit3A_237 : i32 to vector<16xi32>
      %select_n3A_239 = arith.select %eq3A_236, %add3A_15, %broadcast_in_dim3A_238 : vector<16xi1>, vector<16xi32>
      %min3A_240 = arith.minsi %select_n3A_234, %select_n3A_239 : vector<16xi32>
      %eq3A_241 = vector.broadcast %reduce_max3A_229 : f32 to vector<16xf32>
      %eq3A_242 = arith.cmpf oeq, %select_n3A_217, %eq3A_241 : vector<16xf32>
      %jit3A_243 = arith.constant 64 : i32
      %broadcast_in_dim3A_244 = vector.broadcast %jit3A_243 : i32 to vector<16xi32>
      %select_n3A_245 = arith.select %eq3A_242, %add3A_18, %broadcast_in_dim3A_244 : vector<16xi1>, vector<16xi32>
      %min3A_246 = arith.minsi %min3A_240, %select_n3A_245 : vector<16xi32>
      %eq3A_247 = vector.broadcast %reduce_max3A_229 : f32 to vector<16xf32>
      %eq3A_248 = arith.cmpf oeq, %select_n3A_222, %eq3A_247 : vector<16xf32>
      %jit3A_249 = arith.constant 64 : i32
      %broadcast_in_dim3A_250 = vector.broadcast %jit3A_249 : i32 to vector<16xi32>
      %select_n3A_251 = arith.select %eq3A_248, %add3A_21, %broadcast_in_dim3A_250 : vector<16xi1>, vector<16xi32>
      %min3A_252 = arith.minsi %min3A_246, %select_n3A_251 : vector<16xi32>
      %reduce_min3A_253 = arith.constant true
      %reduce_min3A_254 = vector.broadcast %reduce_min3A_253 : i1 to vector<16xi1>
      %reduce_min3A_255 = arith.constant -2147483648 : i32
      %reduce_min3A_256 = vector.broadcast %reduce_min3A_255 : i32 to vector<16xi32>
      %reduce_min3A_257 = arith.xori %min3A_252, %reduce_min3A_256 : vector<16xi32>
      %reduce_min3A_258 = tpu.scan <min>, %reduce_min3A_257 masked %reduce_min3A_254 : vector<16xi32>, vector<16xi1> -> vector<16xi32>
      %reduce_min3A_259 = arith.xori %reduce_min3A_258, %reduce_min3A_256 : vector<16xi32>
      %reduce_min3A_260 = vector.extract %reduce_min3A_259[15] : i32 from vector<16xi32>
      %eq3A_261 = arith.constant 3 : i32
      %eq3A_262 = vector.broadcast %eq3A_261 : i32 to vector<16xi32>
      %eq3A_263 = arith.cmpi eq, %iota3A, %eq3A_262 : vector<16xi32>
      %broadcast_in_dim3A_264 = vector.broadcast %reduce_max3A_229 : f32 to vector<16xf32>
      %select_n3A_265 = arith.select %eq3A_263, %broadcast_in_dim3A_264, %select_n3A_197 : vector<16xi1>, vector<16xf32>
      %eq3A_266 = arith.constant 3 : i32
      %eq3A_267 = vector.broadcast %eq3A_266 : i32 to vector<16xi32>
      %eq3A_268 = arith.cmpi eq, %iota3A, %eq3A_267 : vector<16xi32>
      %broadcast_in_dim3A_269 = vector.broadcast %reduce_min3A_260 : i32 to vector<16xi32>
      %select_n3A_270 = arith.select %eq3A_268, %broadcast_in_dim3A_269, %select_n3A_202 : vector<16xi1>, vector<16xi32>
      %eq3A_271 = vector.broadcast %reduce_min3A_260 : i32 to vector<16xi32>
      %eq3A_272 = arith.cmpi eq, %add3A_12, %eq3A_271 : vector<16xi32>
      %jit3A_273 = arith.constant -1.000000e+30 : f32
      %broadcast_in_dim3A_274 = vector.broadcast %jit3A_273 : f32 to vector<16xf32>
      %select_n3A_275 = arith.select %eq3A_272, %broadcast_in_dim3A_274, %select_n3A_207 : vector<16xi1>, vector<16xf32>
      %eq3A_276 = vector.broadcast %reduce_min3A_260 : i32 to vector<16xi32>
      %eq3A_277 = arith.cmpi eq, %add3A_15, %eq3A_276 : vector<16xi32>
      %jit3A_278 = arith.constant -1.000000e+30 : f32
      %broadcast_in_dim3A_279 = vector.broadcast %jit3A_278 : f32 to vector<16xf32>
      %select_n3A_280 = arith.select %eq3A_277, %broadcast_in_dim3A_279, %select_n3A_212 : vector<16xi1>, vector<16xf32>
      %eq3A_281 = vector.broadcast %reduce_min3A_260 : i32 to vector<16xi32>
      %eq3A_282 = arith.cmpi eq, %add3A_18, %eq3A_281 : vector<16xi32>
      %jit3A_283 = arith.constant -1.000000e+30 : f32
      %broadcast_in_dim3A_284 = vector.broadcast %jit3A_283 : f32 to vector<16xf32>
      %select_n3A_285 = arith.select %eq3A_282, %broadcast_in_dim3A_284, %select_n3A_217 : vector<16xi1>, vector<16xf32>
      %eq3A_286 = vector.broadcast %reduce_min3A_260 : i32 to vector<16xi32>
      %eq3A_287 = arith.cmpi eq, %add3A_21, %eq3A_286 : vector<16xi32>
      %jit3A_288 = arith.constant -1.000000e+30 : f32
      %broadcast_in_dim3A_289 = vector.broadcast %jit3A_288 : f32 to vector<16xf32>
      %select_n3A_290 = arith.select %eq3A_287, %broadcast_in_dim3A_289, %select_n3A_222 : vector<16xi1>, vector<16xf32>
      %max3A_291 = arith.maximumf %select_n3A_275, %select_n3A_280 : vector<16xf32>
      %max3A_292 = arith.maximumf %max3A_291, %select_n3A_285 : vector<16xf32>
      %max3A_293 = arith.maximumf %max3A_292, %select_n3A_290 : vector<16xf32>
      %reduce_max3A_294 = arith.constant true
      %reduce_max3A_295 = vector.broadcast %reduce_max3A_294 : i1 to vector<16xi1>
      %reduce_max3A_296 = tpu.scan <max>, %max3A_293 masked %reduce_max3A_295 : vector<16xf32>, vector<16xi1> -> vector<16xf32>
      %reduce_max3A_297 = vector.extract %reduce_max3A_296[15] : f32 from vector<16xf32>
      %eq3A_298 = vector.broadcast %reduce_max3A_297 : f32 to vector<16xf32>
      %eq3A_299 = arith.cmpf oeq, %select_n3A_275, %eq3A_298 : vector<16xf32>
      %jit3A_300 = arith.constant 64 : i32
      %broadcast_in_dim3A_301 = vector.broadcast %jit3A_300 : i32 to vector<16xi32>
      %select_n3A_302 = arith.select %eq3A_299, %add3A_12, %broadcast_in_dim3A_301 : vector<16xi1>, vector<16xi32>
      %eq3A_303 = vector.broadcast %reduce_max3A_297 : f32 to vector<16xf32>
      %eq3A_304 = arith.cmpf oeq, %select_n3A_280, %eq3A_303 : vector<16xf32>
      %jit3A_305 = arith.constant 64 : i32
      %broadcast_in_dim3A_306 = vector.broadcast %jit3A_305 : i32 to vector<16xi32>
      %select_n3A_307 = arith.select %eq3A_304, %add3A_15, %broadcast_in_dim3A_306 : vector<16xi1>, vector<16xi32>
      %min3A_308 = arith.minsi %select_n3A_302, %select_n3A_307 : vector<16xi32>
      %eq3A_309 = vector.broadcast %reduce_max3A_297 : f32 to vector<16xf32>
      %eq3A_310 = arith.cmpf oeq, %select_n3A_285, %eq3A_309 : vector<16xf32>
      %jit3A_311 = arith.constant 64 : i32
      %broadcast_in_dim3A_312 = vector.broadcast %jit3A_311 : i32 to vector<16xi32>
      %select_n3A_313 = arith.select %eq3A_310, %add3A_18, %broadcast_in_dim3A_312 : vector<16xi1>, vector<16xi32>
      %min3A_314 = arith.minsi %min3A_308, %select_n3A_313 : vector<16xi32>
      %eq3A_315 = vector.broadcast %reduce_max3A_297 : f32 to vector<16xf32>
      %eq3A_316 = arith.cmpf oeq, %select_n3A_290, %eq3A_315 : vector<16xf32>
      %jit3A_317 = arith.constant 64 : i32
      %broadcast_in_dim3A_318 = vector.broadcast %jit3A_317 : i32 to vector<16xi32>
      %select_n3A_319 = arith.select %eq3A_316, %add3A_21, %broadcast_in_dim3A_318 : vector<16xi1>, vector<16xi32>
      %min3A_320 = arith.minsi %min3A_314, %select_n3A_319 : vector<16xi32>
      %reduce_min3A_321 = arith.constant true
      %reduce_min3A_322 = vector.broadcast %reduce_min3A_321 : i1 to vector<16xi1>
      %reduce_min3A_323 = arith.constant -2147483648 : i32
      %reduce_min3A_324 = vector.broadcast %reduce_min3A_323 : i32 to vector<16xi32>
      %reduce_min3A_325 = arith.xori %min3A_320, %reduce_min3A_324 : vector<16xi32>
      %reduce_min3A_326 = tpu.scan <min>, %reduce_min3A_325 masked %reduce_min3A_322 : vector<16xi32>, vector<16xi1> -> vector<16xi32>
      %reduce_min3A_327 = arith.xori %reduce_min3A_326, %reduce_min3A_324 : vector<16xi32>
      %reduce_min3A_328 = vector.extract %reduce_min3A_327[15] : i32 from vector<16xi32>
      %eq3A_329 = arith.constant 4 : i32
      %eq3A_330 = vector.broadcast %eq3A_329 : i32 to vector<16xi32>
      %eq3A_331 = arith.cmpi eq, %iota3A, %eq3A_330 : vector<16xi32>
      %broadcast_in_dim3A_332 = vector.broadcast %reduce_max3A_297 : f32 to vector<16xf32>
      %select_n3A_333 = arith.select %eq3A_331, %broadcast_in_dim3A_332, %select_n3A_265 : vector<16xi1>, vector<16xf32>
      %eq3A_334 = arith.constant 4 : i32
      %eq3A_335 = vector.broadcast %eq3A_334 : i32 to vector<16xi32>
      %eq3A_336 = arith.cmpi eq, %iota3A, %eq3A_335 : vector<16xi32>
      %broadcast_in_dim3A_337 = vector.broadcast %reduce_min3A_328 : i32 to vector<16xi32>
      %select_n3A_338 = arith.select %eq3A_336, %broadcast_in_dim3A_337, %select_n3A_270 : vector<16xi1>, vector<16xi32>
      %eq3A_339 = vector.broadcast %reduce_min3A_328 : i32 to vector<16xi32>
      %eq3A_340 = arith.cmpi eq, %add3A_12, %eq3A_339 : vector<16xi32>
      %jit3A_341 = arith.constant -1.000000e+30 : f32
      %broadcast_in_dim3A_342 = vector.broadcast %jit3A_341 : f32 to vector<16xf32>
      %select_n3A_343 = arith.select %eq3A_340, %broadcast_in_dim3A_342, %select_n3A_275 : vector<16xi1>, vector<16xf32>
      %eq3A_344 = vector.broadcast %reduce_min3A_328 : i32 to vector<16xi32>
      %eq3A_345 = arith.cmpi eq, %add3A_15, %eq3A_344 : vector<16xi32>
      %jit3A_346 = arith.constant -1.000000e+30 : f32
      %broadcast_in_dim3A_347 = vector.broadcast %jit3A_346 : f32 to vector<16xf32>
      %select_n3A_348 = arith.select %eq3A_345, %broadcast_in_dim3A_347, %select_n3A_280 : vector<16xi1>, vector<16xf32>
      %eq3A_349 = vector.broadcast %reduce_min3A_328 : i32 to vector<16xi32>
      %eq3A_350 = arith.cmpi eq, %add3A_18, %eq3A_349 : vector<16xi32>
      %jit3A_351 = arith.constant -1.000000e+30 : f32
      %broadcast_in_dim3A_352 = vector.broadcast %jit3A_351 : f32 to vector<16xf32>
      %select_n3A_353 = arith.select %eq3A_350, %broadcast_in_dim3A_352, %select_n3A_285 : vector<16xi1>, vector<16xf32>
      %eq3A_354 = vector.broadcast %reduce_min3A_328 : i32 to vector<16xi32>
      %eq3A_355 = arith.cmpi eq, %add3A_21, %eq3A_354 : vector<16xi32>
      %jit3A_356 = arith.constant -1.000000e+30 : f32
      %broadcast_in_dim3A_357 = vector.broadcast %jit3A_356 : f32 to vector<16xf32>
      %select_n3A_358 = arith.select %eq3A_355, %broadcast_in_dim3A_357, %select_n3A_290 : vector<16xi1>, vector<16xf32>
      %max3A_359 = arith.maximumf %select_n3A_343, %select_n3A_348 : vector<16xf32>
      %max3A_360 = arith.maximumf %max3A_359, %select_n3A_353 : vector<16xf32>
      %max3A_361 = arith.maximumf %max3A_360, %select_n3A_358 : vector<16xf32>
      %reduce_max3A_362 = arith.constant true
      %reduce_max3A_363 = vector.broadcast %reduce_max3A_362 : i1 to vector<16xi1>
      %reduce_max3A_364 = tpu.scan <max>, %max3A_361 masked %reduce_max3A_363 : vector<16xf32>, vector<16xi1> -> vector<16xf32>
      %reduce_max3A_365 = vector.extract %reduce_max3A_364[15] : f32 from vector<16xf32>
      %eq3A_366 = vector.broadcast %reduce_max3A_365 : f32 to vector<16xf32>
      %eq3A_367 = arith.cmpf oeq, %select_n3A_343, %eq3A_366 : vector<16xf32>
      %jit3A_368 = arith.constant 64 : i32
      %broadcast_in_dim3A_369 = vector.broadcast %jit3A_368 : i32 to vector<16xi32>
      %select_n3A_370 = arith.select %eq3A_367, %add3A_12, %broadcast_in_dim3A_369 : vector<16xi1>, vector<16xi32>
      %eq3A_371 = vector.broadcast %reduce_max3A_365 : f32 to vector<16xf32>
      %eq3A_372 = arith.cmpf oeq, %select_n3A_348, %eq3A_371 : vector<16xf32>
      %jit3A_373 = arith.constant 64 : i32
      %broadcast_in_dim3A_374 = vector.broadcast %jit3A_373 : i32 to vector<16xi32>
      %select_n3A_375 = arith.select %eq3A_372, %add3A_15, %broadcast_in_dim3A_374 : vector<16xi1>, vector<16xi32>
      %min3A_376 = arith.minsi %select_n3A_370, %select_n3A_375 : vector<16xi32>
      %eq3A_377 = vector.broadcast %reduce_max3A_365 : f32 to vector<16xf32>
      %eq3A_378 = arith.cmpf oeq, %select_n3A_353, %eq3A_377 : vector<16xf32>
      %jit3A_379 = arith.constant 64 : i32
      %broadcast_in_dim3A_380 = vector.broadcast %jit3A_379 : i32 to vector<16xi32>
      %select_n3A_381 = arith.select %eq3A_378, %add3A_18, %broadcast_in_dim3A_380 : vector<16xi1>, vector<16xi32>
      %min3A_382 = arith.minsi %min3A_376, %select_n3A_381 : vector<16xi32>
      %eq3A_383 = vector.broadcast %reduce_max3A_365 : f32 to vector<16xf32>
      %eq3A_384 = arith.cmpf oeq, %select_n3A_358, %eq3A_383 : vector<16xf32>
      %jit3A_385 = arith.constant 64 : i32
      %broadcast_in_dim3A_386 = vector.broadcast %jit3A_385 : i32 to vector<16xi32>
      %select_n3A_387 = arith.select %eq3A_384, %add3A_21, %broadcast_in_dim3A_386 : vector<16xi1>, vector<16xi32>
      %min3A_388 = arith.minsi %min3A_382, %select_n3A_387 : vector<16xi32>
      %reduce_min3A_389 = arith.constant true
      %reduce_min3A_390 = vector.broadcast %reduce_min3A_389 : i1 to vector<16xi1>
      %reduce_min3A_391 = arith.constant -2147483648 : i32
      %reduce_min3A_392 = vector.broadcast %reduce_min3A_391 : i32 to vector<16xi32>
      %reduce_min3A_393 = arith.xori %min3A_388, %reduce_min3A_392 : vector<16xi32>
      %reduce_min3A_394 = tpu.scan <min>, %reduce_min3A_393 masked %reduce_min3A_390 : vector<16xi32>, vector<16xi1> -> vector<16xi32>
      %reduce_min3A_395 = arith.xori %reduce_min3A_394, %reduce_min3A_392 : vector<16xi32>
      %reduce_min3A_396 = vector.extract %reduce_min3A_395[15] : i32 from vector<16xi32>
      %eq3A_397 = arith.constant 5 : i32
      %eq3A_398 = vector.broadcast %eq3A_397 : i32 to vector<16xi32>
      %eq3A_399 = arith.cmpi eq, %iota3A, %eq3A_398 : vector<16xi32>
      %broadcast_in_dim3A_400 = vector.broadcast %reduce_max3A_365 : f32 to vector<16xf32>
      %select_n3A_401 = arith.select %eq3A_399, %broadcast_in_dim3A_400, %select_n3A_333 : vector<16xi1>, vector<16xf32>
      %eq3A_402 = arith.constant 5 : i32
      %eq3A_403 = vector.broadcast %eq3A_402 : i32 to vector<16xi32>
      %eq3A_404 = arith.cmpi eq, %iota3A, %eq3A_403 : vector<16xi32>
      %broadcast_in_dim3A_405 = vector.broadcast %reduce_min3A_396 : i32 to vector<16xi32>
      %select_n3A_406 = arith.select %eq3A_404, %broadcast_in_dim3A_405, %select_n3A_338 : vector<16xi1>, vector<16xi32>
      %eq3A_407 = vector.broadcast %reduce_min3A_396 : i32 to vector<16xi32>
      %eq3A_408 = arith.cmpi eq, %add3A_12, %eq3A_407 : vector<16xi32>
      %jit3A_409 = arith.constant -1.000000e+30 : f32
      %broadcast_in_dim3A_410 = vector.broadcast %jit3A_409 : f32 to vector<16xf32>
      %select_n3A_411 = arith.select %eq3A_408, %broadcast_in_dim3A_410, %select_n3A_343 : vector<16xi1>, vector<16xf32>
      %eq3A_412 = vector.broadcast %reduce_min3A_396 : i32 to vector<16xi32>
      %eq3A_413 = arith.cmpi eq, %add3A_15, %eq3A_412 : vector<16xi32>
      %jit3A_414 = arith.constant -1.000000e+30 : f32
      %broadcast_in_dim3A_415 = vector.broadcast %jit3A_414 : f32 to vector<16xf32>
      %select_n3A_416 = arith.select %eq3A_413, %broadcast_in_dim3A_415, %select_n3A_348 : vector<16xi1>, vector<16xf32>
      %eq3A_417 = vector.broadcast %reduce_min3A_396 : i32 to vector<16xi32>
      %eq3A_418 = arith.cmpi eq, %add3A_18, %eq3A_417 : vector<16xi32>
      %jit3A_419 = arith.constant -1.000000e+30 : f32
      %broadcast_in_dim3A_420 = vector.broadcast %jit3A_419 : f32 to vector<16xf32>
      %select_n3A_421 = arith.select %eq3A_418, %broadcast_in_dim3A_420, %select_n3A_353 : vector<16xi1>, vector<16xf32>
      %eq3A_422 = vector.broadcast %reduce_min3A_396 : i32 to vector<16xi32>
      %eq3A_423 = arith.cmpi eq, %add3A_21, %eq3A_422 : vector<16xi32>
      %jit3A_424 = arith.constant -1.000000e+30 : f32
      %broadcast_in_dim3A_425 = vector.broadcast %jit3A_424 : f32 to vector<16xf32>
      %select_n3A_426 = arith.select %eq3A_423, %broadcast_in_dim3A_425, %select_n3A_358 : vector<16xi1>, vector<16xf32>
      %max3A_427 = arith.maximumf %select_n3A_411, %select_n3A_416 : vector<16xf32>
      %max3A_428 = arith.maximumf %max3A_427, %select_n3A_421 : vector<16xf32>
      %max3A_429 = arith.maximumf %max3A_428, %select_n3A_426 : vector<16xf32>
      %reduce_max3A_430 = arith.constant true
      %reduce_max3A_431 = vector.broadcast %reduce_max3A_430 : i1 to vector<16xi1>
      %reduce_max3A_432 = tpu.scan <max>, %max3A_429 masked %reduce_max3A_431 : vector<16xf32>, vector<16xi1> -> vector<16xf32>
      %reduce_max3A_433 = vector.extract %reduce_max3A_432[15] : f32 from vector<16xf32>
      %eq3A_434 = vector.broadcast %reduce_max3A_433 : f32 to vector<16xf32>
      %eq3A_435 = arith.cmpf oeq, %select_n3A_411, %eq3A_434 : vector<16xf32>
      %jit3A_436 = arith.constant 64 : i32
      %broadcast_in_dim3A_437 = vector.broadcast %jit3A_436 : i32 to vector<16xi32>
      %select_n3A_438 = arith.select %eq3A_435, %add3A_12, %broadcast_in_dim3A_437 : vector<16xi1>, vector<16xi32>
      %eq3A_439 = vector.broadcast %reduce_max3A_433 : f32 to vector<16xf32>
      %eq3A_440 = arith.cmpf oeq, %select_n3A_416, %eq3A_439 : vector<16xf32>
      %jit3A_441 = arith.constant 64 : i32
      %broadcast_in_dim3A_442 = vector.broadcast %jit3A_441 : i32 to vector<16xi32>
      %select_n3A_443 = arith.select %eq3A_440, %add3A_15, %broadcast_in_dim3A_442 : vector<16xi1>, vector<16xi32>
      %min3A_444 = arith.minsi %select_n3A_438, %select_n3A_443 : vector<16xi32>
      %eq3A_445 = vector.broadcast %reduce_max3A_433 : f32 to vector<16xf32>
      %eq3A_446 = arith.cmpf oeq, %select_n3A_421, %eq3A_445 : vector<16xf32>
      %jit3A_447 = arith.constant 64 : i32
      %broadcast_in_dim3A_448 = vector.broadcast %jit3A_447 : i32 to vector<16xi32>
      %select_n3A_449 = arith.select %eq3A_446, %add3A_18, %broadcast_in_dim3A_448 : vector<16xi1>, vector<16xi32>
      %min3A_450 = arith.minsi %min3A_444, %select_n3A_449 : vector<16xi32>
      %eq3A_451 = vector.broadcast %reduce_max3A_433 : f32 to vector<16xf32>
      %eq3A_452 = arith.cmpf oeq, %select_n3A_426, %eq3A_451 : vector<16xf32>
      %jit3A_453 = arith.constant 64 : i32
      %broadcast_in_dim3A_454 = vector.broadcast %jit3A_453 : i32 to vector<16xi32>
      %select_n3A_455 = arith.select %eq3A_452, %add3A_21, %broadcast_in_dim3A_454 : vector<16xi1>, vector<16xi32>
      %min3A_456 = arith.minsi %min3A_450, %select_n3A_455 : vector<16xi32>
      %reduce_min3A_457 = arith.constant true
      %reduce_min3A_458 = vector.broadcast %reduce_min3A_457 : i1 to vector<16xi1>
      %reduce_min3A_459 = arith.constant -2147483648 : i32
      %reduce_min3A_460 = vector.broadcast %reduce_min3A_459 : i32 to vector<16xi32>
      %reduce_min3A_461 = arith.xori %min3A_456, %reduce_min3A_460 : vector<16xi32>
      %reduce_min3A_462 = tpu.scan <min>, %reduce_min3A_461 masked %reduce_min3A_458 : vector<16xi32>, vector<16xi1> -> vector<16xi32>
      %reduce_min3A_463 = arith.xori %reduce_min3A_462, %reduce_min3A_460 : vector<16xi32>
      %reduce_min3A_464 = vector.extract %reduce_min3A_463[15] : i32 from vector<16xi32>
      %eq3A_465 = arith.constant 6 : i32
      %eq3A_466 = vector.broadcast %eq3A_465 : i32 to vector<16xi32>
      %eq3A_467 = arith.cmpi eq, %iota3A, %eq3A_466 : vector<16xi32>
      %broadcast_in_dim3A_468 = vector.broadcast %reduce_max3A_433 : f32 to vector<16xf32>
      %select_n3A_469 = arith.select %eq3A_467, %broadcast_in_dim3A_468, %select_n3A_401 : vector<16xi1>, vector<16xf32>
      %eq3A_470 = arith.constant 6 : i32
      %eq3A_471 = vector.broadcast %eq3A_470 : i32 to vector<16xi32>
      %eq3A_472 = arith.cmpi eq, %iota3A, %eq3A_471 : vector<16xi32>
      %broadcast_in_dim3A_473 = vector.broadcast %reduce_min3A_464 : i32 to vector<16xi32>
      %select_n3A_474 = arith.select %eq3A_472, %broadcast_in_dim3A_473, %select_n3A_406 : vector<16xi1>, vector<16xi32>
      %eq3A_475 = vector.broadcast %reduce_min3A_464 : i32 to vector<16xi32>
      %eq3A_476 = arith.cmpi eq, %add3A_12, %eq3A_475 : vector<16xi32>
      %jit3A_477 = arith.constant -1.000000e+30 : f32
      %broadcast_in_dim3A_478 = vector.broadcast %jit3A_477 : f32 to vector<16xf32>
      %select_n3A_479 = arith.select %eq3A_476, %broadcast_in_dim3A_478, %select_n3A_411 : vector<16xi1>, vector<16xf32>
      %eq3A_480 = vector.broadcast %reduce_min3A_464 : i32 to vector<16xi32>
      %eq3A_481 = arith.cmpi eq, %add3A_15, %eq3A_480 : vector<16xi32>
      %jit3A_482 = arith.constant -1.000000e+30 : f32
      %broadcast_in_dim3A_483 = vector.broadcast %jit3A_482 : f32 to vector<16xf32>
      %select_n3A_484 = arith.select %eq3A_481, %broadcast_in_dim3A_483, %select_n3A_416 : vector<16xi1>, vector<16xf32>
      %eq3A_485 = vector.broadcast %reduce_min3A_464 : i32 to vector<16xi32>
      %eq3A_486 = arith.cmpi eq, %add3A_18, %eq3A_485 : vector<16xi32>
      %jit3A_487 = arith.constant -1.000000e+30 : f32
      %broadcast_in_dim3A_488 = vector.broadcast %jit3A_487 : f32 to vector<16xf32>
      %select_n3A_489 = arith.select %eq3A_486, %broadcast_in_dim3A_488, %select_n3A_421 : vector<16xi1>, vector<16xf32>
      %eq3A_490 = vector.broadcast %reduce_min3A_464 : i32 to vector<16xi32>
      %eq3A_491 = arith.cmpi eq, %add3A_21, %eq3A_490 : vector<16xi32>
      %jit3A_492 = arith.constant -1.000000e+30 : f32
      %broadcast_in_dim3A_493 = vector.broadcast %jit3A_492 : f32 to vector<16xf32>
      %select_n3A_494 = arith.select %eq3A_491, %broadcast_in_dim3A_493, %select_n3A_426 : vector<16xi1>, vector<16xf32>
      %max3A_495 = arith.maximumf %select_n3A_479, %select_n3A_484 : vector<16xf32>
      %max3A_496 = arith.maximumf %max3A_495, %select_n3A_489 : vector<16xf32>
      %max3A_497 = arith.maximumf %max3A_496, %select_n3A_494 : vector<16xf32>
      %reduce_max3A_498 = arith.constant true
      %reduce_max3A_499 = vector.broadcast %reduce_max3A_498 : i1 to vector<16xi1>
      %reduce_max3A_500 = tpu.scan <max>, %max3A_497 masked %reduce_max3A_499 : vector<16xf32>, vector<16xi1> -> vector<16xf32>
      %reduce_max3A_501 = vector.extract %reduce_max3A_500[15] : f32 from vector<16xf32>
      %eq3A_502 = vector.broadcast %reduce_max3A_501 : f32 to vector<16xf32>
      %eq3A_503 = arith.cmpf oeq, %select_n3A_479, %eq3A_502 : vector<16xf32>
      %jit3A_504 = arith.constant 64 : i32
      %broadcast_in_dim3A_505 = vector.broadcast %jit3A_504 : i32 to vector<16xi32>
      %select_n3A_506 = arith.select %eq3A_503, %add3A_12, %broadcast_in_dim3A_505 : vector<16xi1>, vector<16xi32>
      %eq3A_507 = vector.broadcast %reduce_max3A_501 : f32 to vector<16xf32>
      %eq3A_508 = arith.cmpf oeq, %select_n3A_484, %eq3A_507 : vector<16xf32>
      %jit3A_509 = arith.constant 64 : i32
      %broadcast_in_dim3A_510 = vector.broadcast %jit3A_509 : i32 to vector<16xi32>
      %select_n3A_511 = arith.select %eq3A_508, %add3A_15, %broadcast_in_dim3A_510 : vector<16xi1>, vector<16xi32>
      %min3A_512 = arith.minsi %select_n3A_506, %select_n3A_511 : vector<16xi32>
      %eq3A_513 = vector.broadcast %reduce_max3A_501 : f32 to vector<16xf32>
      %eq3A_514 = arith.cmpf oeq, %select_n3A_489, %eq3A_513 : vector<16xf32>
      %jit3A_515 = arith.constant 64 : i32
      %broadcast_in_dim3A_516 = vector.broadcast %jit3A_515 : i32 to vector<16xi32>
      %select_n3A_517 = arith.select %eq3A_514, %add3A_18, %broadcast_in_dim3A_516 : vector<16xi1>, vector<16xi32>
      %min3A_518 = arith.minsi %min3A_512, %select_n3A_517 : vector<16xi32>
      %eq3A_519 = vector.broadcast %reduce_max3A_501 : f32 to vector<16xf32>
      %eq3A_520 = arith.cmpf oeq, %select_n3A_494, %eq3A_519 : vector<16xf32>
      %jit3A_521 = arith.constant 64 : i32
      %broadcast_in_dim3A_522 = vector.broadcast %jit3A_521 : i32 to vector<16xi32>
      %select_n3A_523 = arith.select %eq3A_520, %add3A_21, %broadcast_in_dim3A_522 : vector<16xi1>, vector<16xi32>
      %min3A_524 = arith.minsi %min3A_518, %select_n3A_523 : vector<16xi32>
      %reduce_min3A_525 = arith.constant true
      %reduce_min3A_526 = vector.broadcast %reduce_min3A_525 : i1 to vector<16xi1>
      %reduce_min3A_527 = arith.constant -2147483648 : i32
      %reduce_min3A_528 = vector.broadcast %reduce_min3A_527 : i32 to vector<16xi32>
      %reduce_min3A_529 = arith.xori %min3A_524, %reduce_min3A_528 : vector<16xi32>
      %reduce_min3A_530 = tpu.scan <min>, %reduce_min3A_529 masked %reduce_min3A_526 : vector<16xi32>, vector<16xi1> -> vector<16xi32>
      %reduce_min3A_531 = arith.xori %reduce_min3A_530, %reduce_min3A_528 : vector<16xi32>
      %reduce_min3A_532 = vector.extract %reduce_min3A_531[15] : i32 from vector<16xi32>
      %eq3A_533 = arith.constant 7 : i32
      %eq3A_534 = vector.broadcast %eq3A_533 : i32 to vector<16xi32>
      %eq3A_535 = arith.cmpi eq, %iota3A, %eq3A_534 : vector<16xi32>
      %broadcast_in_dim3A_536 = vector.broadcast %reduce_max3A_501 : f32 to vector<16xf32>
      %select_n3A_537 = arith.select %eq3A_535, %broadcast_in_dim3A_536, %select_n3A_469 : vector<16xi1>, vector<16xf32>
      %eq3A_538 = arith.constant 7 : i32
      %eq3A_539 = vector.broadcast %eq3A_538 : i32 to vector<16xi32>
      %eq3A_540 = arith.cmpi eq, %iota3A, %eq3A_539 : vector<16xi32>
      %broadcast_in_dim3A_541 = vector.broadcast %reduce_min3A_532 : i32 to vector<16xi32>
      %select_n3A_542 = arith.select %eq3A_540, %broadcast_in_dim3A_541, %select_n3A_474 : vector<16xi1>, vector<16xi32>
      %eq3A_543 = vector.broadcast %reduce_min3A_532 : i32 to vector<16xi32>
      %eq3A_544 = arith.cmpi eq, %add3A_12, %eq3A_543 : vector<16xi32>
      %jit3A_545 = arith.constant -1.000000e+30 : f32
      %broadcast_in_dim3A_546 = vector.broadcast %jit3A_545 : f32 to vector<16xf32>
      %select_n3A_547 = arith.select %eq3A_544, %broadcast_in_dim3A_546, %select_n3A_479 : vector<16xi1>, vector<16xf32>
      %eq3A_548 = vector.broadcast %reduce_min3A_532 : i32 to vector<16xi32>
      %eq3A_549 = arith.cmpi eq, %add3A_15, %eq3A_548 : vector<16xi32>
      %jit3A_550 = arith.constant -1.000000e+30 : f32
      %broadcast_in_dim3A_551 = vector.broadcast %jit3A_550 : f32 to vector<16xf32>
      %select_n3A_552 = arith.select %eq3A_549, %broadcast_in_dim3A_551, %select_n3A_484 : vector<16xi1>, vector<16xf32>
      %eq3A_553 = vector.broadcast %reduce_min3A_532 : i32 to vector<16xi32>
      %eq3A_554 = arith.cmpi eq, %add3A_18, %eq3A_553 : vector<16xi32>
      %jit3A_555 = arith.constant -1.000000e+30 : f32
      %broadcast_in_dim3A_556 = vector.broadcast %jit3A_555 : f32 to vector<16xf32>
      %select_n3A_557 = arith.select %eq3A_554, %broadcast_in_dim3A_556, %select_n3A_489 : vector<16xi1>, vector<16xf32>
      %eq3A_558 = vector.broadcast %reduce_min3A_532 : i32 to vector<16xi32>
      %eq3A_559 = arith.cmpi eq, %add3A_21, %eq3A_558 : vector<16xi32>
      %jit3A_560 = arith.constant -1.000000e+30 : f32
      %broadcast_in_dim3A_561 = vector.broadcast %jit3A_560 : f32 to vector<16xf32>
      %select_n3A_562 = arith.select %eq3A_559, %broadcast_in_dim3A_561, %select_n3A_494 : vector<16xi1>, vector<16xf32>
      %lt3A = arith.constant 8 : i32
      %lt3A_563 = vector.broadcast %lt3A : i32 to vector<16xi32>
      %lt3A_564 = arith.cmpi slt, %iota3A, %lt3A_563 : vector<16xi32>
      %sub3A = vector.broadcast %reduce_max3A_29 : f32 to vector<16xf32>
      %sub3A_565 = arith.subf %select_n3A_537, %sub3A : vector<16xf32>
      %exp3A = math.exp %sub3A_565 : vector<16xf32>
      %jit3A_566 = arith.constant 0.000000e+00 : f32
      %broadcast_in_dim3A_567 = vector.broadcast %jit3A_566 : f32 to vector<16xf32>
      %select_n3A_568 = arith.select %lt3A_564, %exp3A, %broadcast_in_dim3A_567 : vector<16xi1>, vector<16xf32>
      %reduce_sum3A = arith.constant true
      %reduce_sum3A_569 = vector.broadcast %reduce_sum3A : i1 to vector<16xi1>
      %reduce_sum3A_570 = tpu.scan <sum>, %select_n3A_568 masked %reduce_sum3A_569 : vector<16xf32>, vector<16xi1> -> vector<16xf32>
      %reduce_sum3A_571 = vector.extract %reduce_sum3A_570[15] : f32 from vector<16xf32>
      %div3A = vector.broadcast %reduce_sum3A_571 : f32 to vector<16xf32>
      %div3A_572 = arith.divf %select_n3A_568, %div3A : vector<16xf32>
      %swap3A = arith.constant 0 : index
      %swap3A_573 = tpu.vector_load %arg6[%swap3A] {strides = array<i32>} : memref<16xf32, #tpu.memory_space<vmem>>, vector<16xf32>,
      tpu.vector_store %arg6[%swap3A], %div3A_572 {strides = array<i32>} : memref<16xf32, #tpu.memory_space<vmem>>, vector<16xf32>,
      %swap3A_574 = arith.constant 0 : index
      %swap3A_575 = tpu.vector_load %arg7[%swap3A_574] {strides = array<i32>} : memref<16xi32, #tpu.memory_space<vmem>>, vector<16xi32>,
      tpu.vector_store %arg7[%swap3A_574], %select_n3A_542 {strides = array<i32>} : memref<16xi32, #tpu.memory_space<vmem>>, vector<16xi32>,
      "tpu.region"() ({
        %run_scoped3A = tpu.sem_alloc : memref<!tpu.dma_semaphore, #tpu.memory_space<semaphore_mem>>
        tpu.enqueue_dma source(%arg6 : memref<16xf32, #tpu.memory_space<vmem>>) target(%arg3 : memref<16xf32, #tpu.memory_space<hbm>>) target_semaphore(%run_scoped3A : memref<!tpu.dma_semaphore, #tpu.memory_space<semaphore_mem>>)
        tpu.wait_dma2 semaphore(%run_scoped3A : memref<!tpu.dma_semaphore, #tpu.memory_space<semaphore_mem>>) src(%arg6 : memref<16xf32, #tpu.memory_space<vmem>>) dst(%arg3 : memref<16xf32, #tpu.memory_space<hbm>>)
        tpu.yield
      }) : () -> ()
      "tpu.region"() ({
        %run_scoped3A = tpu.sem_alloc : memref<!tpu.dma_semaphore, #tpu.memory_space<semaphore_mem>>
        tpu.enqueue_dma source(%arg7 : memref<16xi32, #tpu.memory_space<vmem>>) target(%arg4 : memref<16xi32, #tpu.memory_space<hbm>>) target_semaphore(%run_scoped3A : memref<!tpu.dma_semaphore, #tpu.memory_space<semaphore_mem>>)
        tpu.wait_dma2 semaphore(%run_scoped3A : memref<!tpu.dma_semaphore, #tpu.memory_space<semaphore_mem>>) src(%arg7 : memref<16xi32, #tpu.memory_space<vmem>>) dst(%arg4 : memref<16xi32, #tpu.memory_space<hbm>>)
        tpu.yield
      }) : () -> ()
    } else {
    }
    return
  }
}

module attributes {stable_mosaic.version = 14 : i64} {
  func.func @_gate_body(%arg0: i32, %arg1: memref<1024x2048xf32, #tpu.memory_space<vmem>>, %arg2: memref<64x2048xf32, #tpu.memory_space<vmem>>, %arg3: memref<64x2048xf32, #tpu.memory_space<vmem>>, %arg4: memref<1x64xf32, #tpu.memory_space<vmem>>, %arg5: memref<1x64xf32, #tpu.memory_space<vmem>>, %arg6: memref<1x64xf32, #tpu.memory_space<vmem>>, %arg7: memref<1x2048xf32, #tpu.memory_space<vmem>>) attributes {dimension_semantics = [#tpu.dimension_semantics<arbitrary>], iteration_bounds = array<i64: 8>, scalar_prefetch = 0 : i64, scratch_operands = 2 : i64, tpu.core_type = #tpu.core_type<tc>, window_params = [{transform_indices = @transform_0, window_bounds = array<i64: 1024, 2048>}, {pipeline_mode = #tpu.pipeline_mode<synchronous>, transform_indices = @transform_1, window_bounds = array<i64: 64, 2048>}, {pipeline_mode = #tpu.pipeline_mode<synchronous>, transform_indices = @transform_2, window_bounds = array<i64: 64, 2048>}, {pipeline_mode = #tpu.pipeline_mode<synchronous>, transform_indices = @transform_3, window_bounds = array<i64: 1, 64>}, {pipeline_mode = #tpu.pipeline_mode<synchronous>, transform_indices = @transform_4, window_bounds = array<i64: 1, 64>}]} {
    %eq3A = arith.constant 0 : i32
    %eq3A_0 = arith.cmpi eq, %arg0, %eq3A : i32
    %convert_element_type3A = arith.extui %eq3A_0 : i1 to i32
    %cond3A = arith.constant 0 : i32
    %cond3A_1 = arith.cmpi ne, %convert_element_type3A, %cond3A : i32
    scf.if %cond3A_1 {
      %broadcast_in_dim3A_36 = arith.constant 0.000000e+00 : f32
      %broadcast_in_dim3A_37 = vector.broadcast %broadcast_in_dim3A_36 : f32 to vector<1x64xf32>
      %swap3A_38 = arith.constant 0 : index
      %swap3A_39 = arith.constant 0 : index
      %swap3A_40 = vector.load %arg6[%swap3A_38, %swap3A_39] : memref<1x64xf32, #tpu.memory_space<vmem>>, vector<1x64xf32>
      tpu.vector_store %arg6[%swap3A_38, %swap3A_39], %broadcast_in_dim3A_37 {strides = array<i32>} : memref<1x64xf32, #tpu.memory_space<vmem>>, vector<1x64xf32>,
      %broadcast_in_dim3A_41 = arith.constant 0.000000e+00 : f32
      %broadcast_in_dim3A_42 = vector.broadcast %broadcast_in_dim3A_41 : f32 to vector<1x2048xf32>
      %swap3A_43 = arith.constant 0 : index
      %swap3A_44 = arith.constant 0 : index
      %swap3A_45 = vector.load %arg7[%swap3A_43, %swap3A_44] : memref<1x2048xf32, #tpu.memory_space<vmem>>, vector<1x2048xf32>
      tpu.vector_store %arg7[%swap3A_43, %swap3A_44], %broadcast_in_dim3A_42 {strides = array<i32>} : memref<1x2048xf32, #tpu.memory_space<vmem>>, vector<1x2048xf32>,
    } else {
    }
    %get3A = arith.constant 0 : index
    %get3A_2 = arith.constant 0 : index
    %get3A_3 = vector.load %arg1[%get3A, %get3A_2] : memref<1024x2048xf32, #tpu.memory_space<vmem>>, vector<1024x2048xf32>
    %get3A_4 = arith.constant 0 : index
    %get3A_5 = arith.constant 0 : index
    %get3A_6 = vector.load %arg2[%get3A_4, %get3A_5] : memref<64x2048xf32, #tpu.memory_space<vmem>>, vector<64x2048xf32>
    %dot_general3A = arith.constant dense<0.000000e+00> : vector<1024x64xf32>
    %dot_general3A_7 = tpu.matmul %get3A_3, %get3A_6, %dot_general3A {dimension_numbers = #tpu.dot_dimension_numbers<[1], [1], [0], [0], [0, 0, 1, 0], [], []>, transpose_lhs_hint = false} : vector<1024x2048xf32>, vector<64x2048xf32>, vector<1024x64xf32> -> vector<1024x64xf32>
    %get3A_8 = arith.constant 0 : index
    %get3A_9 = arith.constant 0 : index
    %get3A_10 = vector.load %arg6[%get3A_8, %get3A_9] : memref<1x64xf32, #tpu.memory_space<vmem>>, vector<1x64xf32>
    %custom_jvp_call3A = arith.constant 0.000000e+00 : f32
    %max3A = vector.broadcast %custom_jvp_call3A : f32 to vector<1024x64xf32>
    %max3A_11 = arith.maximumf %dot_general3A_7, %max3A : vector<1024x64xf32>
    %sub3A = vector.broadcast %custom_jvp_call3A : f32 to vector<1024x64xf32>
    %sub3A_12 = arith.subf %dot_general3A_7, %sub3A : vector<1024x64xf32>
    %ne3A = arith.cmpf one, %sub3A_12, %sub3A_12 : vector<1024x64xf32>
    %add3A = vector.broadcast %custom_jvp_call3A : f32 to vector<1024x64xf32>
    %add3A_13 = arith.addf %dot_general3A_7, %add3A : vector<1024x64xf32>
    %abs3A = math.absf %sub3A_12 : vector<1024x64xf32>
    %neg3A = arith.constant 0.000000e+00 : f32
    %neg3A_14 = vector.broadcast %neg3A : f32 to vector<1024x64xf32>
    %neg3A_15 = arith.subf %neg3A_14, %abs3A : vector<1024x64xf32>
    %exp3A = math.exp %neg3A_15 : vector<1024x64xf32>
    %log1p3A = math.log1p %exp3A : vector<1024x64xf32>
    %add3A_16 = arith.addf %max3A_11, %log1p3A : vector<1024x64xf32>
    %select_n3A = arith.select %ne3A, %add3A_13, %add3A_16 : vector<1024x64xi1>, vector<1024x64xf32>
    %reduce_sum3A = arith.constant dense<0.000000e+00> : vector<64xf32>
    %reduce_sum3A_17 = vector.multi_reduction <add>, %select_n3A, %reduce_sum3A [0] : vector<1024x64xf32> to vector<64xf32>
    %broadcast_in_dim3A = vector.shape_cast %reduce_sum3A_17 : vector<64xf32> to vector<1x64xf32>
    %add3A_18 = arith.addf %get3A_10, %broadcast_in_dim3A : vector<1x64xf32>
    %swap3A = arith.constant 0 : index
    %swap3A_19 = arith.constant 0 : index
    %swap3A_20 = vector.load %arg6[%swap3A, %swap3A_19] : memref<1x64xf32, #tpu.memory_space<vmem>>, vector<1x64xf32>
    tpu.vector_store %arg6[%swap3A, %swap3A_19], %add3A_18 {strides = array<i32>} : memref<1x64xf32, #tpu.memory_space<vmem>>, vector<1x64xf32>,
    %get3A_21 = arith.constant 0 : index
    %get3A_22 = arith.constant 0 : index
    %get3A_23 = vector.load %arg7[%get3A_21, %get3A_22] : memref<1x2048xf32, #tpu.memory_space<vmem>>, vector<1x2048xf32>
    %reduce_sum3A_24 = arith.constant dense<0.000000e+00> : vector<2048xf32>
    %reduce_sum3A_25 = vector.multi_reduction <add>, %get3A_3, %reduce_sum3A_24 [0] : vector<1024x2048xf32> to vector<2048xf32>
    %broadcast_in_dim3A_26 = vector.shape_cast %reduce_sum3A_25 : vector<2048xf32> to vector<1x2048xf32>
    %add3A_27 = arith.addf %get3A_23, %broadcast_in_dim3A_26 : vector<1x2048xf32>
    %swap3A_28 = arith.constant 0 : index
    %swap3A_29 = arith.constant 0 : index
    %swap3A_30 = vector.load %arg7[%swap3A_28, %swap3A_29] : memref<1x2048xf32, #tpu.memory_space<vmem>>, vector<1x2048xf32>
    tpu.vector_store %arg7[%swap3A_28, %swap3A_29], %add3A_27 {strides = array<i32>} : memref<1x2048xf32, #tpu.memory_space<vmem>>, vector<1x2048xf32>,
    %eq3A_31 = arith.constant 7 : i32
    %eq3A_32 = arith.cmpi eq, %arg0, %eq3A_31 : i32
    %convert_element_type3A_33 = arith.extui %eq3A_32 : i1 to i32
    %cond3A_34 = arith.constant 0 : i32
    %cond3A_35 = arith.cmpi ne, %convert_element_type3A_33, %cond3A_34 : i32
    scf.if %cond3A_35 {
      %get3A_36 = arith.constant 0 : index
      %get3A_37 = arith.constant 0 : index
      %get3A_38 = vector.load %arg7[%get3A_36, %get3A_37] : memref<1x2048xf32, #tpu.memory_space<vmem>>, vector<1x2048xf32>
      %mul3A = arith.constant 1.22070313E-4 : f32
      %mul3A_39 = vector.broadcast %mul3A : f32 to vector<1x2048xf32>
      %mul3A_40 = arith.mulf %get3A_38, %mul3A_39 : vector<1x2048xf32>
      %get3A_41 = arith.constant 0 : index
      %get3A_42 = arith.constant 0 : index
      %get3A_43 = vector.load %arg3[%get3A_41, %get3A_42] : memref<64x2048xf32, #tpu.memory_space<vmem>>, vector<64x2048xf32>
      %dot_general3A_44 = arith.constant dense<0.000000e+00> : vector<1x64xf32>
      %dot_general3A_45 = tpu.matmul %mul3A_40, %get3A_43, %dot_general3A_44 {dimension_numbers = #tpu.dot_dimension_numbers<[1], [1], [0], [0], [0, 0, 1, 0], [], []>, transpose_lhs_hint = false} : vector<1x2048xf32>, vector<64x2048xf32>, vector<1x64xf32> -> vector<1x64xf32>
      %get3A_46 = arith.constant 0 : index
      %get3A_47 = arith.constant 0 : index
      %get3A_48 = vector.load %arg6[%get3A_46, %get3A_47] : memref<1x64xf32, #tpu.memory_space<vmem>>, vector<1x64xf32>
      %mul3A_49 = arith.constant 1.22070313E-4 : f32
      %mul3A_50 = vector.broadcast %mul3A_49 : f32 to vector<1x64xf32>
      %mul3A_51 = arith.mulf %get3A_48, %mul3A_50 : vector<1x64xf32>
      %get3A_52 = arith.constant 0 : index
      %get3A_53 = arith.constant 0 : index
      %get3A_54 = vector.load %arg4[%get3A_52, %get3A_53] : memref<1x64xf32, #tpu.memory_space<vmem>>, vector<1x64xf32>
      %mul3A_55 = arith.mulf %mul3A_51, %get3A_54 : vector<1x64xf32>
      %add3A_56 = arith.addf %dot_general3A_45, %mul3A_55 : vector<1x64xf32>
      %swap3A_57 = arith.constant 0 : index
      %swap3A_58 = arith.constant 0 : index
      %swap3A_59 = vector.load %arg5[%swap3A_57, %swap3A_58] : memref<1x64xf32, #tpu.memory_space<vmem>>, vector<1x64xf32>
      tpu.vector_store %arg5[%swap3A_57, %swap3A_58], %add3A_56 {strides = array<i32>} : memref<1x64xf32, #tpu.memory_space<vmem>>, vector<1x64xf32>,
    } else {
    }
    return
  }
  func.func @transform_0(%arg0: i32) -> (i32, i32) {
    %c0_i32 = arith.constant 0 : i32
    %c0_i32_0 = arith.constant 0 : i32
    return %arg0, %c0_i32 : i32, i32
  }
  func.func @transform_1(%arg0: i32) -> (i32, i32) {
    %c0_i32 = arith.constant 0 : i32
    %c0_i32_0 = arith.constant 0 : i32
    %c0_i32_1 = arith.constant 0 : i32
    return %c0_i32, %c0_i32_0 : i32, i32
  }
  func.func @transform_2(%arg0: i32) -> (i32, i32) {
    %c0_i32 = arith.constant 0 : i32
    %c0_i32_0 = arith.constant 0 : i32
    %c0_i32_1 = arith.constant 0 : i32
    return %c0_i32, %c0_i32_0 : i32, i32
  }
  func.func @transform_3(%arg0: i32) -> (i32, i32) {
    %c0_i32 = arith.constant 0 : i32
    %c0_i32_0 = arith.constant 0 : i32
    %c0_i32_1 = arith.constant 0 : i32
    return %c0_i32, %c0_i32_0 : i32, i32
  }
  func.func @transform_4(%arg0: i32) -> (i32, i32) {
    %c0_i32 = arith.constant 0 : i32
    %c0_i32_0 = arith.constant 0 : i32
    %c0_i32_1 = arith.constant 0 : i32
    return %c0_i32, %c0_i32_0 : i32, i32
  }
}

</mosaic_0001>

<sc_bundles>
// kernel: kernel.4.cloned.1.call-start
scs
__scs_entry_jumppad:
0x0: {  	(pc) =	sbr.rel $0x88, $3  }
0x1: {  	(tag) =	ssettag $0x0;
	lr =	simm.s32 $0x1  }
0x2: {  	[smem:$0x3F9E] =	sst lr;
	_ =	strace $0xD0000000  }
0x3: {  	_ = 	snop  }
0x4: {  	_ = 	snop  }
0x5: {  	_ = 	snop  }
0x6: {  	_ = 	snop  }
0x7: {  	_ = 	snop  }
__scs_overlays_trampoline_lowered:
0x8: {  	[smem:$0x3FAD] =	sst s0  }
0x9: {  	[smem:$0x3FAE] =	sst s1  }
0xa: {  	[smem:$0x3FAF] =	sst s2  }
0xb: {  	[smem:$0x3FB0] =	sst s3  }
0xc: {  	[smem:$0x3FB1] =	sst s4  }
0xd: {  	[smem:$0x3FB2] =	sst s5  }
0xe: {  	[smem:$0x3FB3] =	sst s6  }
0xf: {  	[smem:$0x3FB4] =	sst s7  }
0x10: {  	[smem:$0x3FB5] =	sst s8  }
0x11: {  	[smem:$0x3FB6] =	sst s9;
	s0 =	simm.s32 @!p0 $0x0  }
0x12: {  	s1 =	sld [smem:$0x3F9C];
	s0 =	simm.s32 @p0 $0x1  }
0x13: {  	[smem:$0x3FB7] =	sst s0;
	s0 =	simm.s32 @!p1 $0x0  }
0x14: {  	s2 =	sld [smem:$0x3F9B];
	s0 =	simm.s32 @p1 $0x1  }
0x15: {  	[smem:$0x3FB8] =	sst s0;
	s0 =	simm.s32 @!p2 $0x0  }
0x16: {  	s3 =	sld [smem:$0x3FDB];
	s0 =	simm.s32 @p2 $0x1  }
0x17: {  	s4 =	simm.s32 $0x1BF5;
	[smem:$0x3FBA] =	sst s0  }
0x18: {  	s0 =	sld [smem:$0x3F9D];
	_ =	swait.ge [sflag:s4], $0x0  }
0x19: {  	s7 =	sld [smem:$0x3F9E]  }
0x1a: {  	s8 =	sadd.s32 $0xFFFFE003, lr  }
0x1b: {  	s9 =	sadd.s32 $0xFFFFFEF7, lr;
	s5 =	simm.s32 $0xFFFFFFFF;
	p2 =	slt.u32 s8, $0xFFFFF086  }
0x1c: {  	p1 =	slt.u32 s9, $0xF7A;
	s5 =	simm.s32 @!p2 $0x0  }
0x1d: {  	s5 =	simm.s32 @p1 $0x1;
	p0 =	seq.s32 s7, s2  }
0x1e: {  	s7 =	smul.u32 @!p0 $0xF7A, s2;
	p2 =	seq.s32 @!p0 s5, $0x0  }
0x1f: {  	s9 =	smul.u32 $0xF7A, s1;
	s8 =	simm.s32 @!p0 $0x1BF5;
	p2 =	por !p2, p0  }
0x20: {  	[sflag:s8] =	ssyncset.s32 @!p0 $0xFFFFF086;
	s6 =	sadd.s32 @!p0 s3, s7;
	s7 =	simm.s32 @!p0 $0x108  }
0x21: {  	s3 =	sadd.s32 s3, s9;
	s6 =	sadd.s32 @!p0 $0x88, s6;
	s7 =	simm.s32 @p2 $0x1082  }
0x22: {  	[simem:s7], [sflag:s8] =	dma.local @!p0 [hbm:s6], $0xF7A  }
0x23: {  	s9 =	sor.u32 $0xD0000000, s2;
	s6 =	simm.s32 $0x108;
	_ =	swait.ge @!p0 [sflag:s8], $0x0  }
0x24: {  	s3 =	sadd.s32 $0x88, s3;
	s6 =	simm.s32 @!p1 $0x1082;
	[sflag:s4] =	ssyncset.s32 $0xFFFFF086  }
0x25: {  	[simem:s6], [sflag:s4] =	dma.local [hbm:s3], $0xF7A  }
0x26: {  	[smem:$0x3F9E] =	sst s1;
	(tag) =	ssettag s2;
	_ =	strace s9  }
0x27: {  	s1 =	sld [smem:$0x3FAE]  }
0x28: {  	s2 =	sld [smem:$0x3FAF]  }
0x29: {  	s4 =	sld [smem:$0x3FB1]  }
0x2a: {  	p0 =	seq.s32 s5, $0x0;
	s5 =	sld [smem:$0x3FB2]  }
0x2b: {  	s6 =	sld [smem:$0x3FB3]  }
0x2c: {  	s7 =	sld [smem:$0x3FB4]  }
0x2d: {  	s3 =	simm.s32 $0x108;
	s8 =	sld [smem:$0x3FB5]  }
0x2e: {  	s3 =	simm.s32 @!p0 $0x1082;
	s9 =	sld [smem:$0x3FB6]  }
0x2f: {  	lr =	sadd.s32 s0, s3;
	s0 =	sld [smem:$0x3FAD]  }
0x30: {  	s3 =	sld [smem:$0x3FB0]  }
0x31: {  	[smem:$0x3FB9] =	sst s10  }
0x32: {  	s10 =	sld [smem:$0x3FB7];
	_ =	sdelay $0x3  }
0x33: {  	p0 =	seq.s32 s10, $0x1;
	s10 =	sld [smem:$0x3FB9];
	_ =	sdelay $0x3  }
0x34: {  	[smem:$0x3FB9] =	sst s10  }
0x35: {  	s10 =	sld [smem:$0x3FB8];
	_ =	sdelay $0x3  }
0x36: {  	p1 =	seq.s32 s10, $0x1;
	s10 =	sld [smem:$0x3FB9];
	_ =	sdelay $0x3  }
0x37: {  	[smem:$0x3FB9] =	sst s10  }
0x38: {  	s10 =	sld [smem:$0x3FBA]  }
0x39: {  	_ = 	snop;
	(pc) =	sbr.ind lr, $3  }
0x3a: {  	_ = 	snop  }
0x3b: {  	_ = 	snop  }
0x3c: {  	p2 =	seq.s32 s10, $0x1;
	s10 =	sld [smem:$0x3FB9]  }
0x3d: {  	_ =	shalt  }
0x3e: {  	_ =	shalt  }
0x3f: {  	_ =	shalt  }
0x40: {  	_ =	shalt  }
0x41: {  	_ =	shalt  }
0x42: {  	_ =	shalt  }
0x43: {  	_ =	shalt  }
0x44: {  	_ =	shalt  }
0x45: {  	_ =	shalt  }
0x46: {  	_ =	shalt  }
0x47: {  	_ =	shalt  }
0x48: {  	_ =	shalt  }
0x49: {  	_ =	shalt  }
0x4a: {  	_ =	shalt  }
0x4b: {  	_ =	shalt  }
0x4c: {  	_ =	shalt  }
0x4d: {  	_ =	shalt  }
0x4e: {  	_ =	shalt  }
0x4f: {  	_ =	shalt  }
0x50: {  	_ =	shalt  }
0x51: {  	_ =	shalt  }
0x52: {  	_ =	shalt  }
0x53: {  	_ =	shalt  }
0x54: {  	_ =	shalt  }
0x55: {  	_ =	shalt  }
0x56: {  	_ =	shalt  }
0x57: {  	_ =	shalt  }
0x58: {  	_ =	shalt  }
0x59: {  	_ =	shalt  }
0x5a: {  	_ =	shalt  }
0x5b: {  	_ =	shalt  }
0x5c: {  	_ =	shalt  }
0x5d: {  	_ =	shalt  }
0x5e: {  	_ =	shalt  }
0x5f: {  	_ =	shalt  }
0x60: {  	_ =	shalt  }
0x61: {  	_ =	shalt  }
0x62: {  	_ =	shalt  }
0x63: {  	_ =	shalt  }
0x64: {  	_ =	shalt  }
0x65: {  	_ =	shalt  }
0x66: {  	_ =	shalt  }
0x67: {  	_ =	shalt  }
0x68: {  	_ =	shalt  }
0x69: {  	_ =	shalt  }
0x6a: {  	_ =	shalt  }
0x6b: {  	_ =	shalt  }
0x6c: {  	_ =	shalt  }
0x6d: {  	_ =	shalt  }
0x6e: {  	_ =	shalt  }
0x6f: {  	_ =	shalt  }
0x70: {  	_ =	shalt  }
0x71: {  	_ =	shalt  }
0x72: {  	_ =	shalt  }
0x73: {  	_ =	shalt  }
0x74: {  	_ =	shalt  }
0x75: {  	_ =	shalt  }
0x76: {  	_ =	shalt  }
0x77: {  	_ =	shalt  }
0x78: {  	_ =	shalt  }
0x79: {  	_ =	shalt  }
0x7a: {  	_ =	shalt  }
0x7b: {  	_ =	shalt  }
0x7c: {  	_ =	shalt  }
0x7d: {  	_ =	shalt  }
0x7e: {  	_ =	shalt  }
0x7f: {  	_ =	shalt  }
0x80: {  	_ =	shalt  }
0x81: {  	_ =	shalt  }
0x82: {  	_ =	shalt  }
0x83: {  	_ =	shalt  }
0x84: {  	_ =	shalt  }
0x85: {  	_ =	shalt  }
0x86: {  	_ =	shalt  }
0x87: {  	_ =	shalt  }
.Lfunc_end0:
.L_simem_size_0:
called_computation_lowered:
.L_overlay_start_0:
0x88: {  	s0 =	sld [smem:$0x3FD9]  }
0x89: {  	s1 =	sld [smem:$0x3FFE];
	_ =	sdelay $0x3  }
0x8a: {  	s0 =	sadd.s32 s1, s0  }
0x8b: {  	[smem:$0x3FC5] =	sst s0  }
0x8c: {  	_ = 	snop  }
0x8d: {  	s0 =	sld [smem:$0x3FD0];
	_ =	sdelay $0x2  }
0x8e: {  	s13 =	simm.s32 $0xA;
	s2 =	simm.s32 $0x10  }
0x8f: {  	[smem:s2], [sflag:s13] =	dma.local [hbm:s0], $0x1  }
0x90: {  	_ =	swait.eq [sflag:s13], $0x1  }
0x91: {  	[sflag:s13] =	ssyncset.done $0x0  }
0x92: {  	s14 =	sld [smem:$0x10];
	[sflag:s13] =	ssyncadd.s32 $0xFFFFFFFF  }
0x93: {  	s15 =	sld [smem:$0x11];
	(tm) =	ssettm $0x1  }
0x94: {  	s16 =	sld [smem:$0x3FFB];
	_ =	sdelay $0x3  }
0x95: {  	_ =	strace s16  }
0x96: {  	s2 =	sld [smem:$0x3FFC];
	_ =	sdelay $0x3  }
0x97: {  	_ =	strace s2  }
0x98: {  	s2 =	sld [smem:$0x3FFD];
	_ =	sdelay $0x3  }
0x99: {  	_ =	strace s2  }
0x9a: {  	_ =	strace $0x8FFFFFFF  }
0x9b: {  	s17 =	sld [smem:$0x3FDB];
	_ =	sdelay $0x1  }
0x9c: {  	s3 =	simm.s32 $_scs_section_size  }
0x9d: {  	s4 =	simm.s32 $_size__tile_overlayer_lowered;
	s5 =	simm.s32 $_tile_overlayer_lowered  }
0x9e: {  	s20 =	simm.s32 $0x1BFF;
	s19 =	sshll.u32 s5, $0x1;
	s2 =	sadd.s32 s3, s17  }
0x9f: {  	s6 =	simm.s32 $0x0;
	s18 =	sshll.u32 s4, $0x1;
	s4 =	sadd.s32 s19, s2  }
0xa0: {  	[timem:s6], [sflag:s20] =	dma.local [hbm:s4], s18  }
0xa1: {  	_ =	swait.ge [sflag:s20], s18  }
0xa2: {  	s3 =	ssub.s32 $0x0, s18;
	[sflag:s20] =	ssyncset.done $0x0  }
0xa3: {  	[sflag:s20] =	ssyncadd.s32 s3;
	_ =	sdelay $0x1  }
0xa4: {  	s21 =	simm.s32 $0x1B8B  }
0xa5: {  	_ =	swait.ge [sflag:s21], $0x1  }
0xa6: {  	[sflag:s21] =	ssyncset.done $0x0  }
0xa7: {  	s23 =	simm.s32 $0x1B8E;
	s22 =	sld [smem:$0x3FFE];
	[sflag:s21] =	ssyncadd.s32 $0xFFFFFFFF  }
0xa8: {  	s24 =	simm.s32 $execute0_lowered;
	[smem:$0x3FD2] =	sst s23  }
0xa9: {  	s4 =	sshll.u32 s24, $0x1;
	_ =	strace $0x80000046;
	[dreg:$0x1] =	wrdreg $0xFFFFFFFF  }
0xaa: {  	s25 =	simm.s32 $_size_execute0_lowered;
	s2 =	sadd.s32 s2, s4;
	[dreg:$0x0] =	wrdreg $0x0  }
0xab: {  	s4 =	sshll.u32 s25, $0x1;
	[dreg:$0x2] =	wrdreg s2  }
0xac: {  	[dreg:$0x3] =	wrdreg s4  }
0xad: {  	[dreg:$0x4] =	wrdreg $0xC0  }
0xae: {  	_ =	task [dreg:s6], $0x5FFFF  }
0xaf: {  	[dreg:$0x1] =	wrdreg $0xFFFFFFFF  }
0xb0: {  	[dreg:$0x0] =	wrdreg $0x60  }
0xb1: {  	[dreg:$0x2] =	wrdreg s22  }
0xb2: {  	[dreg:$0x3] =	wrdreg s14  }
0xb3: {  	[dreg:$0x4] =	wrdreg s15  }
0xb4: {  	[dreg:$0x5] =	wrdreg $0x9  }
0xb5: {  	_ =	task.clear_ibuf [dreg:s6], $0x6FFFF;
	_ =	strace $0x90000046  }
0xb6: {  	s26 =	simm.s32 $0x9;
	_ =	strace $0x80000048  }
0xb7: {  	_ =	swait.ge [sflag:s26], $0x1  }
0xb8: {  	[sflag:s26] =	ssyncadd.s32 $0xFFFFFFFF  }
0xb9: {  	_ =	strace $0x90000048  }
0xba: {  	_ =	sfence  }
0xbb: {  	s28 =	sld [smem:$0x0];
	_ =	sdelay $0x1  }
0xbc: {  	s29 =	srdreg.scid  }
0xbd: {  	s30 =	sshll.u32 s29, $0xD;
	s31 =	sshrl.u32 s29, $0x2  }
0xbe: {  	s1 =	sand.u32 $0x1, s29;
	s2 =	sand.u32 $0x4000, s30;
	s0 =	sadd.s32 s31, s28  }
0xbf: {  	s1 =	sor.u32 s2, s1;
	s0 =	sshll.u32 s0, $0x11  }
0xc0: {  	s0 =	sor.u32 s0, s1  }
0xc1: {  	s0 =	sadd.s32 $0x8F2B, s0  }
0xc2: {  	[sflag:s0] =	ssyncadd.remote.s32 $0x1  }
0xc3: {  	_ =	sfence.sel $0xFFFF  }
0xc4: {  	[dreg:$0x0] =	wrdreg $0xFFFFFFFF;
	(pc) =	sbr.abs _section_cstart, $3  }
0xc5: {  	[dreg:$0x1] =	wrdreg $0xFFFFFFFF  }
0xc6: {  	_ =	task.clear_ibuf [dreg:s6], $0x2FFFF;
	_ =	strace $0x9FFFFFFF  }
0xc7: {  	(tm) =	ssettm $0x7FFFFFFF  }
tec
execute0_lowered:
.L_overlay_start_1:
0x0: {  	(tag) =	ssettag $0x1  }
0x1: {  	s3 =	rddreg [dreg:$0x0]  }
0x2: {  	s2 =	rddreg [dreg:$0x1]  }
0x3: {  	s1 =	rddreg [dreg:$0x2];
	s4 =	stileid.u32  }
0x4: {  	s0 =	rddreg [dreg:$0x3];
	_ =	strace $0x80000047;
	p0 =	sne.s32 s4, $0x0  }
0x5: {  	_ =	sfence.sel @p0 $0x180000  }
0x6: {  	[bflag:$0x0] =	sbarrier.arrive @p0 $0xFFFF  }
0x7: {  	_ =	strace @p0 $0x90000047  }
0x8: {  	[bflag:$0x2] =	sbarrier.arrive @p0 $0xFFFF  }
0x9: {  	_ =	shalt @p0  }
.LBB2_1:
0xa: {  	s3 =	sadd.s32 $0xE00, s3;
	s4 =	simm.s32 $0x0;
	s26 =	simm.s32 $0x1  }
0xb: {  	[tilespmem:s4], [sflag:$0x1] =	stream.linear.gather [hbm4b:s3+s4], $0x80, $0x38;
	[tilespmem:$0x180] =	vst v63  }
0xc: {  	_ =	swait.ge [sflag:s26], $0x80  }
0xd: {  	[sflag:s26] =	ssyncset.done $0x0  }
0xe: {  	[sflag:s26] =	ssyncadd.s32 $0xFFFFFF80  }
0xf: {  	v8 =	vld [tilespmem:$0x0]  }
0x10: {  	v10 =	vld [tilespmem:$0x10]  }
0x11: {  	v11 =	vld [tilespmem:$0x20]  }
0x12: {  	v12 =	vld [tilespmem:$0x30];
	_ =	sdelay $0x2  }
0x13: {  	v0 =	vmax.f32 v8, v10  }
0x14: {  	v0 =	vmax.f32 v0, v11  }
0x15: {  	v0 =	vmax.f32 v0, v12  }
0x16: {  	(xrf0) =	vmax.scan.msk.f32 $0xffff, v0;
	_ =	sdelay $0x5  }
0x17: {  	v0, _, _ =	vpop (xrf0)  }
0x18: {  	v6 =	vbroadcast v0, $0xF  }
0x19: {  	v42 =	vlaneseq.u32  }
0x1a: {  	v2 =	vor.u32 $0x80000030, v42;
	vm0 =	veq.f32 v12, v6  }
0x1b: {  	v3 =	vor.u32 $0x80000020, v42;
	vm1 =	veq.f32 v11, v6;
	v1 =	vnsel vm0, $0x80000040, v2  }
0x1c: {  	v4 =	vor.u32 $0x80000010, v42;
	vm14 =	veq.f32 v10, v6;
	v1 =	vsel vm1, v3, v1  }
0x1d: {  	v5 =	vor.u32 $0x80000000, v42;
	vm15 =	veq.f32 v8, v6;
	v1 =	vsel vm14, v4, v1  }
0x1e: {  	v1 =	vsel vm15, v5, v1  }
0x1f: {  	(xrf0) =	vmin.scan.msk.u32 $0xffff, v1;
	_ =	sdelay $0x5  }
0x20: {  	v1, _, _ =	vpop (xrf0)  }
0x21: {  	(v2sf) =	vpush v1, $0xF;
	_ =	sdelay $0xe  }
0x22: {  	s5 =	spop (v2sf)  }
0x23: {  	s5 =	sxor.u32 $0x80000000, s5  }
0x24: {  	v7 =	vor.u32 $0x10, v42;
	v9 =	vor.u32 $0x20, v42;
	v43 =	vmov s5  }
0x25: {  	v44 =	vor.u32 $0x30, v42;
	vm4 =	veq.s32 v43, v42;
	vm5 =	veq.s32 v43, v7  }
0x26: {  	vm6 =	veq.s32 v43, v9;
	v13 =	vsel vm4, $0xF149F2CA, v8;
	v14 =	vsel vm5, $0xF149F2CA, v10  }
0x27: {  	vm7 =	veq.s32 v43, v44;
	v11 =	vsel vm6, $0xF149F2CA, v11;
	v8 =	vmax.f32 v13, v14  }
0x28: {  	v12 =	vsel vm7, $0xF149F2CA, v12;
	v8 =	vmax.f32 v8, v11  }
0x29: {  	v8 =	vmax.f32 v8, v12  }
0x2a: {  	(xrf0) =	vmax.scan.msk.f32 $0xffff, v8;
	_ =	sdelay $0x5  }
0x2b: {  	v8, _, _ =	vpop (xrf0)  }
0x2c: {  	v8 =	vbroadcast v8, $0xF;
	_ =	sdelay $0x1  }
0x2d: {  	vm0 =	veq.f32 v12, v8  }
0x2e: {  	vm8 =	veq.f32 v11, v8;
	v15 =	vnsel vm0, $0x80000040, v2  }
0x2f: {  	vm9 =	veq.f32 v14, v8;
	v15 =	vsel vm8, v3, v15  }
0x30: {  	vm10 =	veq.f32 v13, v8;
	v15 =	vsel vm9, v4, v15  }
0x31: {  	v15 =	vsel vm10, v5, v15  }
0x32: {  	(xrf0) =	vmin.scan.msk.u32 $0xffff, v15;
	_ =	sdelay $0x5  }
0x33: {  	v15, _, _ =	vpop (xrf0)  }
0x34: {  	(v2sf) =	vpush v15, $0xF;
	_ =	sdelay $0xe  }
0x35: {  	s28 =	spop (v2sf)  }
0x36: {  	s5 =	sxor.u32 $0x80000000, s28  }
0x37: {  	v45 =	vmov s5  }
0x38: {  	vm11 =	veq.s32 v45, v42;
	vm12 =	veq.s32 v45, v7  }
0x39: {  	vm13 =	veq.s32 v45, v9;
	v13 =	vsel vm11, $0xF149F2CA, v13;
	v14 =	vsel vm12, $0xF149F2CA, v14  }
0x3a: {  	vm14 =	veq.s32 v45, v44;
	v16 =	vsel vm13, $0xF149F2CA, v11;
	v46 =	vmax.f32 v13, v14  }
0x3b: {  	v12 =	vsel vm14, $0xF149F2CA, v12;
	v11 =	vmax.f32 v46, v16  }
0x3c: {  	v11 =	vmax.f32 v11, v12  }
0x3d: {  	(xrf0) =	vmax.scan.msk.f32 $0xffff, v11;
	_ =	sdelay $0x5  }
0x3e: {  	v11, _, _ =	vpop (xrf0)  }
0x3f: {  	v11 =	vbroadcast v11, $0xF;
	_ =	sdelay $0x1  }
0x40: {  	vm0 =	veq.f32 v12, v11  }
0x41: {  	vm15 =	veq.f32 v16, v11;
	v47 =	vnsel vm0, $0x80000040, v2  }
0x42: {  	vm4 =	veq.f32 v14, v11;
	v15 =	vsel vm15, v3, v47  }
0x43: {  	vm5 =	veq.f32 v13, v11;
	v15 =	vsel vm4, v4, v15  }
0x44: {  	v15 =	vsel vm5, v5, v15  }
0x45: {  	(xrf0) =	vmin.scan.msk.u32 $0xffff, v15;
	_ =	sdelay $0x5  }
0x46: {  	v15, _, _ =	vpop (xrf0)  }
0x47: {  	(v2sf) =	vpush v15, $0xF;
	_ =	sdelay $0xe  }
0x48: {  	s6 =	spop (v2sf)  }
0x49: {  	s6 =	sxor.u32 $0x80000000, s6  }
0x4a: {  	v48 =	vmov s6  }
0x4b: {  	vm6 =	veq.s32 v48, v42;
	vm7 =	veq.s32 v48, v7  }
0x4c: {  	vm8 =	veq.s32 v48, v9;
	v13 =	vsel vm6, $0xF149F2CA, v13;
	v14 =	vsel vm7, $0xF149F2CA, v14  }
0x4d: {  	vm9 =	veq.s32 v48, v44;
	v16 =	vsel vm8, $0xF149F2CA, v16;
	v49 =	vmax.f32 v13, v14  }
0x4e: {  	v12 =	vsel vm9, $0xF149F2CA, v12;
	v15 =	vmax.f32 v49, v16  }
0x4f: {  	v15 =	vmax.f32 v15, v12  }
0x50: {  	(xrf0) =	vmax.scan.msk.f32 $0xffff, v15;
	_ =	sdelay $0x5  }
0x51: {  	v15, _, _ =	vpop (xrf0)  }
0x52: {  	v15 =	vbroadcast v15, $0xF;
	_ =	sdelay $0x1  }
0x53: {  	vm0 =	veq.f32 v12, v15  }
0x54: {  	vm10 =	veq.f32 v16, v15;
	v17 =	vnsel vm0, $0x80000040, v2  }
0x55: {  	vm11 =	veq.f32 v14, v15;
	v17 =	vsel vm10, v3, v17  }
0x56: {  	vm12 =	veq.f32 v13, v15;
	v17 =	vsel vm11, v4, v17  }
0x57: {  	v17 =	vsel vm12, v5, v17  }
0x58: {  	(xrf0) =	vmin.scan.msk.u32 $0xffff, v17;
	_ =	sdelay $0x5  }
0x59: {  	v17, _, _ =	vpop (xrf0)  }
0x5a: {  	(v2sf) =	vpush v17, $0xF;
	_ =	sdelay $0xe  }
0x5b: {  	s7 =	spop (v2sf)  }
0x5c: {  	s7 =	sxor.u32 $0x80000000, s7  }
0x5d: {  	v50 =	vmov s7  }
0x5e: {  	vm13 =	veq.s32 v50, v42;
	vm14 =	veq.s32 v50, v7  }
0x5f: {  	vm15 =	veq.s32 v50, v9;
	v13 =	vsel vm13, $0xF149F2CA, v13;
	v14 =	vsel vm14, $0xF149F2CA, v14  }
0x60: {  	vm4 =	veq.s32 v50, v44;
	v16 =	vsel vm15, $0xF149F2CA, v16;
	v51 =	vmax.f32 v13, v14  }
0x61: {  	v12 =	vsel vm4, $0xF149F2CA, v12;
	v17 =	vmax.f32 v51, v16  }
0x62: {  	v17 =	vmax.f32 v17, v12  }
0x63: {  	(xrf0) =	vmax.scan.msk.f32 $0xffff, v17;
	_ =	sdelay $0x5  }
0x64: {  	v17, _, _ =	vpop (xrf0)  }
0x65: {  	v17 =	vbroadcast v17, $0xF;
	_ =	sdelay $0x1  }
0x66: {  	vm0 =	veq.f32 v12, v17  }
0x67: {  	vm5 =	veq.f32 v16, v17;
	v18 =	vnsel vm0, $0x80000040, v2  }
0x68: {  	vm6 =	veq.f32 v14, v17;
	v18 =	vsel vm5, v3, v18  }
0x69: {  	vm7 =	veq.f32 v13, v17;
	v18 =	vsel vm6, v4, v18  }
0x6a: {  	v18 =	vsel vm7, v5, v18  }
0x6b: {  	(xrf0) =	vmin.scan.msk.u32 $0xffff, v18;
	_ =	sdelay $0x5  }
0x6c: {  	v18, _, _ =	vpop (xrf0)  }
0x6d: {  	(v2sf) =	vpush v18, $0xF;
	_ =	sdelay $0xe  }
0x6e: {  	s8 =	spop (v2sf)  }
0x6f: {  	s8 =	sxor.u32 $0x80000000, s8  }
0x70: {  	v52 =	vmov s8  }
0x71: {  	vm8 =	veq.s32 v52, v42;
	vm9 =	veq.s32 v52, v7  }
0x72: {  	vm10 =	veq.s32 v52, v9;
	v13 =	vsel vm8, $0xF149F2CA, v13;
	v14 =	vsel vm9, $0xF149F2CA, v14  }
0x73: {  	vm11 =	veq.s32 v52, v44;
	v16 =	vsel vm10, $0xF149F2CA, v16;
	v53 =	vmax.f32 v13, v14  }
0x74: {  	v12 =	vsel vm11, $0xF149F2CA, v12;
	v18 =	vmax.f32 v53, v16  }
0x75: {  	v18 =	vmax.f32 v18, v12  }
0x76: {  	(xrf0) =	vmax.scan.msk.f32 $0xffff, v18;
	_ =	sdelay $0x5  }
0x77: {  	v18, _, _ =	vpop (xrf0)  }
0x78: {  	v18 =	vbroadcast v18, $0xF;
	_ =	sdelay $0x1  }
0x79: {  	vm0 =	veq.f32 v12, v18  }
0x7a: {  	vm12 =	veq.f32 v16, v18;
	v19 =	vnsel vm0, $0x80000040, v2  }
0x7b: {  	vm13 =	veq.f32 v14, v18;
	v19 =	vsel vm12, v3, v19  }
0x7c: {  	vm14 =	veq.f32 v13, v18;
	v19 =	vsel vm13, v4, v19  }
0x7d: {  	v19 =	vsel vm14, v5, v19  }
0x7e: {  	(xrf0) =	vmin.scan.msk.u32 $0xffff, v19;
	_ =	sdelay $0x5  }
0x7f: {  	v19, _, _ =	vpop (xrf0)  }
0x80: {  	(v2sf) =	vpush v19, $0xF;
	_ =	sdelay $0xe  }
0x81: {  	s9 =	spop (v2sf)  }
0x82: {  	s9 =	sxor.u32 $0x80000000, s9  }
0x83: {  	v54 =	vmov s9  }
0x84: {  	vm15 =	veq.s32 v54, v42;
	vm4 =	veq.s32 v54, v7  }
0x85: {  	vm5 =	veq.s32 v54, v9;
	v13 =	vsel vm15, $0xF149F2CA, v13;
	v14 =	vsel vm4, $0xF149F2CA, v14  }
0x86: {  	vm6 =	veq.s32 v54, v44;
	v16 =	vsel vm5, $0xF149F2CA, v16;
	v55 =	vmax.f32 v13, v14  }
0x87: {  	v12 =	vsel vm6, $0xF149F2CA, v12;
	v19 =	vmax.f32 v55, v16  }
0x88: {  	v19 =	vmax.f32 v19, v12  }
0x89: {  	(xrf0) =	vmax.scan.msk.f32 $0xffff, v19;
	_ =	sdelay $0x5  }
0x8a: {  	v19, _, _ =	vpop (xrf0)  }
0x8b: {  	v19 =	vbroadcast v19, $0xF;
	_ =	sdelay $0x1  }
0x8c: {  	vm0 =	veq.f32 v12, v19  }
0x8d: {  	vm7 =	veq.f32 v16, v19;
	v20 =	vnsel vm0, $0x80000040, v2  }
0x8e: {  	vm8 =	veq.f32 v14, v19;
	v20 =	vsel vm7, v3, v20  }
0x8f: {  	vm9 =	veq.f32 v13, v19;
	v20 =	vsel vm8, v4, v20  }
0x90: {  	v20 =	vsel vm9, v5, v20  }
0x91: {  	(xrf0) =	vmin.scan.msk.u32 $0xffff, v20;
	_ =	sdelay $0x5  }
0x92: {  	v20, _, _ =	vpop (xrf0)  }
0x93: {  	(v2sf) =	vpush v20, $0xF;
	_ =	sdelay $0xe  }
0x94: {  	s10 =	spop (v2sf)  }
0x95: {  	s10 =	sxor.u32 $0x80000000, s10  }
0x96: {  	v56 =	vmov s10  }
0x97: {  	vm10 =	veq.s32 v56, v7;
	vm11 =	veq.s32 v56, v42  }
0x98: {  	vm2 =	veq.s32 v56, v9;
	v57 =	vsel vm11, $0xF149F2CA, v13;
	v58 =	vsel vm10, $0xF149F2CA, v14  }
0x99: {  	vm12 =	veq.s32 v56, v44;
	v59 =	vsel vm2, $0xF149F2CA, v16;
	v13 =	vmax.f32 v57, v58  }
0x9a: {  	v12 =	vsel vm12, $0xF149F2CA, v12;
	v13 =	vmax.f32 v13, v59  }
0x9b: {  	v13 =	vmax.f32 v13, v12  }
0x9c: {  	(xrf0) =	vmax.scan.msk.f32 $0xffff, v13  }
0x9d: {  	vm13 =	vmmov $0x1  }
0x9e: {  	v60 =	vnsel vm13, $0x0, v6;
	vm14 =	vcmask $0x320  }
0x9f: {  	v8 =	vsel vm14, v60, v8;
	vm0 =	vcmask $0x720  }
0xa0: {  	vm1 =	vcmask $0xB20;
	v8 =	vsel vm0, v8, v11  }
0xa1: {  	vm15 =	vcmask $0xF20;
	v8 =	vsel vm1, v8, v15  }
0xa2: {  	vm3 =	vcmask $0x1320;
	v8 =	vsel vm15, v8, v17;
	v61, _, _ =	vpop (xrf0)  }
0xa3: {  	vm4 =	vcmask $0x1720;
	v8 =	vsel vm3, v8, v18;
	v11 =	vbroadcast v61, $0xF  }
0xa4: {  	vm5 =	vcmask $0x1B20;
	v8 =	vsel vm4, v8, v19  }
0xa5: {  	v8 =	vsel vm5, v8, v11  }
0xa6: {  	v6 =	vsub.f32 v8, v6;
	_ =	sdelay $0x1  }
0xa7: {  	v6 =	vmul.f32 $1.442695020e+00, v6;
	_ =	sdelay $0x1  }
0xa8: {  	(erf) = vpow2.f32 v6;
	_ =	sdelay $0x4  }
0xa9: {  	vm9 =	veq.f32 v12, v11  }
0xaa: {  	vm6 =	veq.f32 v59, v11;
	v2 =	vnsel vm9, $0x80000040, v2  }
0xab: {  	vm10 =	veq.f32 v58, v11;
	v2 =	vsel vm6, v3, v2  }
0xac: {  	vm12 =	veq.f32 v57, v11;
	v2 =	vsel vm10, v4, v2  }
0xad: {  	vm11 =	vmmov $0xff;
	v2 =	vsel vm12, v5, v2;
	v62 =	vpop (erf)  }
0xae: {  	(xrf0) =	vmin.scan.msk.u32 $0xffff, v2;
	v3 =	vnsel vm11, $0x0, v62  }
0xaf: {  	(xrf2) =	vadd.scan.msk.f32 $0xffff, v3;
	_ =	sdelay $0x4  }
0xb0: {  	v2, _, _ =	vpop (xrf0)  }
0xb1: {  	(v2sf) =	vpush v2, $0xF;
	_ =	sdelay $0x3  }
0xb2: {  	v63, _, _ =	vpop (xrf2)  }
0xb3: {  	v2 =	vbroadcast v63, $0xF;
	_ =	sdelay $0x1  }
0xb4: {  	(erf) = vrcp.f32 v2;
	_ =	sdelay $0x1  }
0xb5: {  	vm13 =	vcmask $0x300  }
0xb6: {  	v1 =	vnsel vm13, $0x0, v43;
	vm14 =	vcmask $0x704  }
0xb7: {  	v1 =	vsel vm14, s5, v1  }
0xb8: {  	v1 =	vnsel vm0, s6, v1  }
0xb9: {  	v1 =	vnsel vm1, s7, v1  }
0xba: {  	v1 =	vnsel vm15, s8, v1  }
0xbb: {  	v1 =	vnsel vm3, s9, v1;
	s29 =	spop (v2sf)  }
0xbc: {  	vm15 =	veq.s32 v42, $0x7;
	v1 =	vnsel vm4, s10, v1;
	s5 =	sxor.u32 $0x80000000, s29;
	v2 =	vpop (erf)  }
0xbd: {  	v0 =	vsel vm15, s5, v1;
	v2 =	vmul.f32 v2, v3  }
0xbe: {  	[tilespmem:$0x100] =	vst v0  }
0xbf: {  	s30 =	simm.s32 $0x80;
	[tilespmem:$0x80] =	vst v2  }
0xc0: {  	[hbm4b:s2+s4] =	stream.linear.scatter [tilespmem:s30], [sflag:$0x1], $0x80, $0x38;
	[tilespmem:$0x180] =	vst v63  }
0xc1: {  	_ =	swait.ge [sflag:s26], $0x80  }
0xc2: {  	[sflag:s26] =	ssyncset.done $0x0  }
0xc3: {  	s31 =	simm.s32 $0x100;
	[sflag:s26] =	ssyncadd.s32 $0xFFFFFF80  }
0xc4: {  	[hbm4b:s1+s4] =	stream.linear.scatter [tilespmem:s31], [sflag:$0x1], $0x80, $0x38;
	[tilespmem:$0x180] =	vst v63  }
0xc5: {  	_ =	swait.ge [sflag:s26], $0x80  }
0xc6: {  	[sflag:s26] =	ssyncset.done $0x0  }
0xc7: {  	[sflag:s26] =	ssyncadd.s32 $0xFFFFFF80  }
0xc8: {  	_ =	sfence.sel $0x180000  }
0xc9: {  	[bflag:$0x0] =	sbarrier.arrive $0xFFFF  }
0xca: {  	_ =	strace $0x90000047  }
0xcb: {  	s0 =	sadd.s32 $0x100000, s0;
	[bflag:$0x2] =	sbarrier.arrive $0xFFFF  }
0xcc: {  	[sflag:s0] =	ssyncadd.tile.s32 $0x1;
	_ =	shalt  }
.Lfunc_end2:
_tile_overlayer_lowered:
.L_overlay_start_2:
0xcd: {  	(tag) =	ssettag $0x2  }
0xce: {  	s0 =	rddreg [dreg:$0x0];
	s2 =	stileid.u32  }
0xcf: {  	s1 =	rddreg [dreg:$0x1];
	p0 =	sne.s32 s2, $0x0  }
0xd0: {  	s3 =	rddreg [dreg:$0x2];
	[bflag:$0x3] =	sbarrier.arrive $0xFFFF;
	s2 =	simm.s32 @!p0 $0x1C01  }
0xd1: {  	[timem:s3], [sflag:s2] =	dma.local @!p0 [hbm:s0], s1  }
0xd2: {  	s0 =	simm.s32 @!p0 $0x1  }
0xd3: {  	_ =	swait.ge @!p0 [sflag:s0], s1  }
0xd4: {  	s1 =	ssub.s32 @!p0 $0x0, s1;
	[sflag:s0] =	ssyncset.done @!p0 $0x0  }
0xd5: {  	[sflag:s0] =	ssyncadd.s32 @!p0 s1  }
0xd6: {  	[bflag:$0x3] =	sbarrier.arrive $0xFFFF  }
0xd7: {  	_ =	shalt  }

</sc_bundles>
